<compile_context>
chip_gen: v7x
topology: tpu7x:2x2x1
jax: 0.10.2.dev20260603
libtpu: 0.0.44.dev20260713+nightly
codegen_flags: <defaults>
</compile_context>

<pallas_src>
import functools

import jax
import jax.numpy as jnp
from jax import lax
from jax.experimental import pallas as pl
from jax.experimental.pallas import tpu as pltpu
from jax.experimental.pallas import tpu_sc as plsc

_BATCH = 4096
_HIST = 50
_D = 64
_NC = 2
_NS = 16
_NW = _NC * _NS
_RPW = _BATCH // _NW
_NB = 8

_mesh = plsc.VectorSubcoreMesh(core_axis_name="c", subcore_axis_name="s")


@functools.partial(
    pl.kernel,
    mesh=_mesh,
    out_type=jax.ShapeDtypeStruct((_BATCH, _HIST, _D), jnp.float32),
    compiler_params=pltpu.CompilerParams(use_tc_tiling_on_sc=False),
    scratch_types=[
        pltpu.VMEM((_RPW, _HIST), jnp.int32),
        pltpu.VMEM((_NB * _HIST, _D), jnp.float32),
    ] + [pltpu.SemaphoreType.DMA] * _NB,
)
def _gather(idx_hbm, table_hbm, out_hbm, idx_v, rows_v, *sems):
    wid = lax.axis_index("s") * _NC + lax.axis_index("c")
    row0 = wid * _RPW
    pltpu.sync_copy(idx_hbm.at[pl.ds(row0, _RPW)], idx_v)

    def buf(b):
        return rows_v.at[pl.ds(b * _HIST, _HIST)]

    for b in range(_NB):
        pltpu.async_copy(table_hbm.at[idx_v.at[b]], buf(b), sems[b])

    def grp(g, carry):
        for b in range(_NB):
            chunk = g * _NB + b
            pltpu.make_async_copy(table_hbm.at[idx_v.at[b]], buf(b), sems[b]).wait()
            pltpu.sync_copy(buf(b), out_hbm.at[row0 + chunk])
            pltpu.async_copy(table_hbm.at[idx_v.at[chunk + _NB]], buf(b), sems[b])
        return carry

    lax.fori_loop(0, _RPW // _NB - 1, grp, 0)

    for b in range(_NB):
        chunk = _RPW - _NB + b
        pltpu.make_async_copy(table_hbm.at[idx_v.at[b]], buf(b), sems[b]).wait()
        pltpu.sync_copy(buf(b), out_hbm.at[row0 + chunk])


def kernel(word_batch, table):
    return _gather(word_batch.astype(jnp.int32), table)

# --- scband reference (transcript-rebuilt; emitter-appended) ---
"""Pipeline reference for scband-embedding-3298534883559 (READ-ONLY COPY).

The authoritative reference and input builder live on the scoring server;
editing this copy changes nothing except your own understanding.
"""

import jax, jax.numpy as jnp
import numpy as np

VOCAB = 1000000
EMBED_DIM = 64
BATCH = 4096
HIST_LEN = 50

def setup_inputs(seed: int = 0) -> dict:
    key = jax.random.key(seed)
    k_idx, k_emb = jax.random.split(key)
    # word_batch: token ids into the (padded) embedding table
    word_batch = jax.random.randint(k_idx, (BATCH, HIST_LEN), 0, VOCAB, dtype=jnp.int64)
    # Glove-style pretrained table: loaded matrix prepended with 2 zero rows
    # (pad / unk), mimicking np.vstack([np.zeros([2, d]), e]) in load_embedding.
    e = jax.random.normal(k_emb, (VOCAB - 2, EMBED_DIM), dtype=jnp.float32) * 0.1
    table = jnp.concatenate([jnp.zeros((2, EMBED_DIM), dtype=jnp.float32), e], axis=0)
    return {"word_batch": word_batch, "table": table}

def reference(word_batch, table):
    # nn.Embedding.from_pretrained(e)(word_batch) == row gather
    return jnp.take(table, word_batch, axis=0)

if __name__ == "__main__":
    import jax
    _d = setup_inputs()
    print(jax.jit(kernel)(*tuple(_d.values())))

</pallas_src>

<mosaic_0001>
#map = affine_map<(d0, d1) -> (0, 0)>
#map1 = affine_map<(d0, d1) -> (0, 0, 0)>
module attributes {stable_mosaic.version = 14 : i64} {
  func.func @_gather(%arg0: i32, %arg1: i32, %arg2: memref<4096x50xi32, #tpu.memory_space<hbm>>, %arg3: memref<1000000x64xf32, #tpu.memory_space<hbm>>, %arg4: memref<4096x50x64xf32, #tpu.memory_space<hbm>>, %arg5: memref<128x50xi32, #tpu.memory_space<vmem>>, %arg6: memref<400x64xf32, #tpu.memory_space<vmem>>, %arg7: memref<!tpu.dma_semaphore, #tpu.memory_space<semaphore_mem>>, %arg8: memref<!tpu.dma_semaphore, #tpu.memory_space<semaphore_mem>>, %arg9: memref<!tpu.dma_semaphore, #tpu.memory_space<semaphore_mem>>, %arg10: memref<!tpu.dma_semaphore, #tpu.memory_space<semaphore_mem>>, %arg11: memref<!tpu.dma_semaphore, #tpu.memory_space<semaphore_mem>>, %arg12: memref<!tpu.dma_semaphore, #tpu.memory_space<semaphore_mem>>, %arg13: memref<!tpu.dma_semaphore, #tpu.memory_space<semaphore_mem>>, %arg14: memref<!tpu.dma_semaphore, #tpu.memory_space<semaphore_mem>>) attributes {dimension_semantics = [#tpu.dimension_semantics<core_parallel>, #tpu.dimension_semantics<subcore_parallel>], iteration_bounds = array<i64: 2, 16>, scalar_prefetch = 0 : i64, scratch_operands = 10 : i64, tpu.core_type = #tpu.core_type<sc_vector_subcore>, window_params = [{transform_indices = #map}, {transform_indices = #map}, {transform_indices = #map1}]} {
    %mul3A = arith.constant 2 : i32
    %mul3A_0 = arith.muli %arg1, %mul3A : i32
    %add3A = arith.addi %mul3A_0, %arg0 : i32
    %mul3A_1 = arith.constant 128 : i32
    %mul3A_2 = arith.muli %add3A, %mul3A_1 : i32
    "tpu.region"() ({
      %run_scoped3A = tpu.sem_alloc : memref<!tpu.dma_semaphore, #tpu.memory_space<semaphore_mem>>
      %dma_start3A_182 = arith.constant 0 : i32
      %dma_start3A_183 = tpu.memref_slice %arg2[%mul3A_2, %dma_start3A_182] : memref<4096x50xi32, #tpu.memory_space<hbm>> -> memref<128x50xi32, #tpu.memory_space<hbm>>
      %dma_start3A_184 = arith.constant 0 : i32
      %dma_start3A_185 = tpu.memref_slice %arg2[%mul3A_2, %dma_start3A_184] : memref<4096x50xi32, #tpu.memory_space<hbm>> -> memref<128x50xi32, #tpu.memory_space<hbm>>
      tpu.enqueue_dma source(%dma_start3A_185 : memref<128x50xi32, #tpu.memory_space<hbm>>) target(%arg5 : memref<128x50xi32, #tpu.memory_space<vmem>>) target_semaphore(%run_scoped3A : memref<!tpu.dma_semaphore, #tpu.memory_space<semaphore_mem>>)
      %dma_wait3A_186 = arith.constant 0 : i32
      %dma_wait3A_187 = tpu.memref_slice %arg2[%mul3A_2, %dma_wait3A_186] : memref<4096x50xi32, #tpu.memory_space<hbm>> -> memref<128x50xi32, #tpu.memory_space<hbm>>
      %dma_wait3A_188 = arith.constant 0 : i32
      %dma_wait3A_189 = tpu.memref_slice %arg2[%mul3A_2, %dma_wait3A_188] : memref<4096x50xi32, #tpu.memory_space<hbm>> -> memref<128x50xi32, #tpu.memory_space<hbm>>
      tpu.wait_dma2 semaphore(%run_scoped3A : memref<!tpu.dma_semaphore, #tpu.memory_space<semaphore_mem>>) src(%dma_wait3A_189 : memref<128x50xi32, #tpu.memory_space<hbm>>) dst(%arg5 : memref<128x50xi32, #tpu.memory_space<vmem>>)
      tpu.yield
    }) : () -> ()
    %dma_start3A = arith.constant 0 : i32
    %dma_start3A_3 = arith.constant 0 : i32
    %dma_start3A_4 = arith.constant 0 : i32
    %dma_start3A_5 = tpu.memref_slice %arg6[%dma_start3A_3, %dma_start3A_4] : memref<400x64xf32, #tpu.memory_space<vmem>> -> memref<50x64xf32, #tpu.memory_space<vmem>>
    %dma_start3A_6 = arith.constant 0 : i32
    %dma_start3A_7 = tpu.memref_slice %arg5[%dma_start3A, %dma_start3A_6] : memref<128x50xi32, #tpu.memory_space<vmem>> -> memref<1x50xi32, #tpu.memory_space<vmem>>
    %dma_start3A_8 = tpu.memref_squeeze %dma_start3A_7 : memref<1x50xi32, #tpu.memory_space<vmem>> -> memref<50xi32, #tpu.memory_space<vmem>>
    %dma_start3A_9 = arith.constant 0 : i32
    %dma_start3A_10 = arith.constant 0 : i32
    %dma_start3A_11 = tpu.memref_slice %arg3[%dma_start3A_9, %dma_start3A_10] : memref<1000000x64xf32, #tpu.memory_space<hbm>> -> memref<1000000x64xf32, #tpu.memory_space<hbm>>
    tpu.enqueue_indirect_dma source(%dma_start3A_11 : memref<1000000x64xf32, #tpu.memory_space<hbm>>) target(%dma_start3A_5 : memref<50x64xf32, #tpu.memory_space<vmem>>) offsets(%dma_start3A_8 : memref<50xi32, #tpu.memory_space<vmem>>) semaphore(%arg7 : memref<!tpu.dma_semaphore, #tpu.memory_space<semaphore_mem>>)
    %dma_start3A_12 = arith.constant 1 : i32
    %dma_start3A_13 = arith.constant 50 : i32
    %dma_start3A_14 = arith.constant 0 : i32
    %dma_start3A_15 = tpu.memref_slice %arg6[%dma_start3A_13, %dma_start3A_14] : memref<400x64xf32, #tpu.memory_space<vmem>> -> memref<50x64xf32, #tpu.memory_space<vmem>>
    %dma_start3A_16 = arith.constant 0 : i32
    %dma_start3A_17 = tpu.memref_slice %arg5[%dma_start3A_12, %dma_start3A_16] : memref<128x50xi32, #tpu.memory_space<vmem>> -> memref<1x50xi32, #tpu.memory_space<vmem>>
    %dma_start3A_18 = tpu.memref_squeeze %dma_start3A_17 : memref<1x50xi32, #tpu.memory_space<vmem>> -> memref<50xi32, #tpu.memory_space<vmem>>
    %dma_start3A_19 = arith.constant 0 : i32
    %dma_start3A_20 = arith.constant 0 : i32
    %dma_start3A_21 = tpu.memref_slice %arg3[%dma_start3A_19, %dma_start3A_20] : memref<1000000x64xf32, #tpu.memory_space<hbm>> -> memref<1000000x64xf32, #tpu.memory_space<hbm>>
    tpu.enqueue_indirect_dma source(%dma_start3A_21 : memref<1000000x64xf32, #tpu.memory_space<hbm>>) target(%dma_start3A_15 : memref<50x64xf32, #tpu.memory_space<vmem>>) offsets(%dma_start3A_18 : memref<50xi32, #tpu.memory_space<vmem>>) semaphore(%arg8 : memref<!tpu.dma_semaphore, #tpu.memory_space<semaphore_mem>>)
    %dma_start3A_22 = arith.constant 2 : i32
    %dma_start3A_23 = arith.constant 100 : i32
    %dma_start3A_24 = arith.constant 0 : i32
    %dma_start3A_25 = tpu.memref_slice %arg6[%dma_start3A_23, %dma_start3A_24] : memref<400x64xf32, #tpu.memory_space<vmem>> -> memref<50x64xf32, #tpu.memory_space<vmem>>
    %dma_start3A_26 = arith.constant 0 : i32
    %dma_start3A_27 = tpu.memref_slice %arg5[%dma_start3A_22, %dma_start3A_26] : memref<128x50xi32, #tpu.memory_space<vmem>> -> memref<1x50xi32, #tpu.memory_space<vmem>>
    %dma_start3A_28 = tpu.memref_squeeze %dma_start3A_27 : memref<1x50xi32, #tpu.memory_space<vmem>> -> memref<50xi32, #tpu.memory_space<vmem>>
    %dma_start3A_29 = arith.constant 0 : i32
    %dma_start3A_30 = arith.constant 0 : i32
    %dma_start3A_31 = tpu.memref_slice %arg3[%dma_start3A_29, %dma_start3A_30] : memref<1000000x64xf32, #tpu.memory_space<hbm>> -> memref<1000000x64xf32, #tpu.memory_space<hbm>>
    tpu.enqueue_indirect_dma source(%dma_start3A_31 : memref<1000000x64xf32, #tpu.memory_space<hbm>>) target(%dma_start3A_25 : memref<50x64xf32, #tpu.memory_space<vmem>>) offsets(%dma_start3A_28 : memref<50xi32, #tpu.memory_space<vmem>>) semaphore(%arg9 : memref<!tpu.dma_semaphore, #tpu.memory_space<semaphore_mem>>)
    %dma_start3A_32 = arith.constant 3 : i32
    %dma_start3A_33 = arith.constant 150 : i32
    %dma_start3A_34 = arith.constant 0 : i32
    %dma_start3A_35 = tpu.memref_slice %arg6[%dma_start3A_33, %dma_start3A_34] : memref<400x64xf32, #tpu.memory_space<vmem>> -> memref<50x64xf32, #tpu.memory_space<vmem>>
    %dma_start3A_36 = arith.constant 0 : i32
    %dma_start3A_37 = tpu.memref_slice %arg5[%dma_start3A_32, %dma_start3A_36] : memref<128x50xi32, #tpu.memory_space<vmem>> -> memref<1x50xi32, #tpu.memory_space<vmem>>
    %dma_start3A_38 = tpu.memref_squeeze %dma_start3A_37 : memref<1x50xi32, #tpu.memory_space<vmem>> -> memref<50xi32, #tpu.memory_space<vmem>>
    %dma_start3A_39 = arith.constant 0 : i32
    %dma_start3A_40 = arith.constant 0 : i32
    %dma_start3A_41 = tpu.memref_slice %arg3[%dma_start3A_39, %dma_start3A_40] : memref<1000000x64xf32, #tpu.memory_space<hbm>> -> memref<1000000x64xf32, #tpu.memory_space<hbm>>
    tpu.enqueue_indirect_dma source(%dma_start3A_41 : memref<1000000x64xf32, #tpu.memory_space<hbm>>) target(%dma_start3A_35 : memref<50x64xf32, #tpu.memory_space<vmem>>) offsets(%dma_start3A_38 : memref<50xi32, #tpu.memory_space<vmem>>) semaphore(%arg10 : memref<!tpu.dma_semaphore, #tpu.memory_space<semaphore_mem>>)
    %dma_start3A_42 = arith.constant 4 : i32
    %dma_start3A_43 = arith.constant 200 : i32
    %dma_start3A_44 = arith.constant 0 : i32
    %dma_start3A_45 = tpu.memref_slice %arg6[%dma_start3A_43, %dma_start3A_44] : memref<400x64xf32, #tpu.memory_space<vmem>> -> memref<50x64xf32, #tpu.memory_space<vmem>>
    %dma_start3A_46 = arith.constant 0 : i32
    %dma_start3A_47 = tpu.memref_slice %arg5[%dma_start3A_42, %dma_start3A_46] : memref<128x50xi32, #tpu.memory_space<vmem>> -> memref<1x50xi32, #tpu.memory_space<vmem>>
    %dma_start3A_48 = tpu.memref_squeeze %dma_start3A_47 : memref<1x50xi32, #tpu.memory_space<vmem>> -> memref<50xi32, #tpu.memory_space<vmem>>
    %dma_start3A_49 = arith.constant 0 : i32
    %dma_start3A_50 = arith.constant 0 : i32
    %dma_start3A_51 = tpu.memref_slice %arg3[%dma_start3A_49, %dma_start3A_50] : memref<1000000x64xf32, #tpu.memory_space<hbm>> -> memref<1000000x64xf32, #tpu.memory_space<hbm>>
    tpu.enqueue_indirect_dma source(%dma_start3A_51 : memref<1000000x64xf32, #tpu.memory_space<hbm>>) target(%dma_start3A_45 : memref<50x64xf32, #tpu.memory_space<vmem>>) offsets(%dma_start3A_48 : memref<50xi32, #tpu.memory_space<vmem>>) semaphore(%arg11 : memref<!tpu.dma_semaphore, #tpu.memory_space<semaphore_mem>>)
    %dma_start3A_52 = arith.constant 5 : i32
    %dma_start3A_53 = arith.constant 250 : i32
    %dma_start3A_54 = arith.constant 0 : i32
    %dma_start3A_55 = tpu.memref_slice %arg6[%dma_start3A_53, %dma_start3A_54] : memref<400x64xf32, #tpu.memory_space<vmem>> -> memref<50x64xf32, #tpu.memory_space<vmem>>
    %dma_start3A_56 = arith.constant 0 : i32
    %dma_start3A_57 = tpu.memref_slice %arg5[%dma_start3A_52, %dma_start3A_56] : memref<128x50xi32, #tpu.memory_space<vmem>> -> memref<1x50xi32, #tpu.memory_space<vmem>>
    %dma_start3A_58 = tpu.memref_squeeze %dma_start3A_57 : memref<1x50xi32, #tpu.memory_space<vmem>> -> memref<50xi32, #tpu.memory_space<vmem>>
    %dma_start3A_59 = arith.constant 0 : i32
    %dma_start3A_60 = arith.constant 0 : i32
    %dma_start3A_61 = tpu.memref_slice %arg3[%dma_start3A_59, %dma_start3A_60] : memref<1000000x64xf32, #tpu.memory_space<hbm>> -> memref<1000000x64xf32, #tpu.memory_space<hbm>>
    tpu.enqueue_indirect_dma source(%dma_start3A_61 : memref<1000000x64xf32, #tpu.memory_space<hbm>>) target(%dma_start3A_55 : memref<50x64xf32, #tpu.memory_space<vmem>>) offsets(%dma_start3A_58 : memref<50xi32, #tpu.memory_space<vmem>>) semaphore(%arg12 : memref<!tpu.dma_semaphore, #tpu.memory_space<semaphore_mem>>)
    %dma_start3A_62 = arith.constant 6 : i32
    %dma_start3A_63 = arith.constant 300 : i32
    %dma_start3A_64 = arith.constant 0 : i32
    %dma_start3A_65 = tpu.memref_slice %arg6[%dma_start3A_63, %dma_start3A_64] : memref<400x64xf32, #tpu.memory_space<vmem>> -> memref<50x64xf32, #tpu.memory_space<vmem>>
    %dma_start3A_66 = arith.constant 0 : i32
    %dma_start3A_67 = tpu.memref_slice %arg5[%dma_start3A_62, %dma_start3A_66] : memref<128x50xi32, #tpu.memory_space<vmem>> -> memref<1x50xi32, #tpu.memory_space<vmem>>
    %dma_start3A_68 = tpu.memref_squeeze %dma_start3A_67 : memref<1x50xi32, #tpu.memory_space<vmem>> -> memref<50xi32, #tpu.memory_space<vmem>>
    %dma_start3A_69 = arith.constant 0 : i32
    %dma_start3A_70 = arith.constant 0 : i32
    %dma_start3A_71 = tpu.memref_slice %arg3[%dma_start3A_69, %dma_start3A_70] : memref<1000000x64xf32, #tpu.memory_space<hbm>> -> memref<1000000x64xf32, #tpu.memory_space<hbm>>
    tpu.enqueue_indirect_dma source(%dma_start3A_71 : memref<1000000x64xf32, #tpu.memory_space<hbm>>) target(%dma_start3A_65 : memref<50x64xf32, #tpu.memory_space<vmem>>) offsets(%dma_start3A_68 : memref<50xi32, #tpu.memory_space<vmem>>) semaphore(%arg13 : memref<!tpu.dma_semaphore, #tpu.memory_space<semaphore_mem>>)
    %dma_start3A_72 = arith.constant 7 : i32
    %dma_start3A_73 = arith.constant 350 : i32
    %dma_start3A_74 = arith.constant 0 : i32
    %dma_start3A_75 = tpu.memref_slice %arg6[%dma_start3A_73, %dma_start3A_74] : memref<400x64xf32, #tpu.memory_space<vmem>> -> memref<50x64xf32, #tpu.memory_space<vmem>>
    %dma_start3A_76 = arith.constant 0 : i32
    %dma_start3A_77 = tpu.memref_slice %arg5[%dma_start3A_72, %dma_start3A_76] : memref<128x50xi32, #tpu.memory_space<vmem>> -> memref<1x50xi32, #tpu.memory_space<vmem>>
    %dma_start3A_78 = tpu.memref_squeeze %dma_start3A_77 : memref<1x50xi32, #tpu.memory_space<vmem>> -> memref<50xi32, #tpu.memory_space<vmem>>
    %dma_start3A_79 = arith.constant 0 : i32
    %dma_start3A_80 = arith.constant 0 : i32
    %dma_start3A_81 = tpu.memref_slice %arg3[%dma_start3A_79, %dma_start3A_80] : memref<1000000x64xf32, #tpu.memory_space<hbm>> -> memref<1000000x64xf32, #tpu.memory_space<hbm>>
    tpu.enqueue_indirect_dma source(%dma_start3A_81 : memref<1000000x64xf32, #tpu.memory_space<hbm>>) target(%dma_start3A_75 : memref<50x64xf32, #tpu.memory_space<vmem>>) offsets(%dma_start3A_78 : memref<50xi32, #tpu.memory_space<vmem>>) semaphore(%arg14 : memref<!tpu.dma_semaphore, #tpu.memory_space<semaphore_mem>>)
    %scan3A = arith.constant 0 : i32
    %scan3A_82 = arith.constant 0 : i32
    %scan3A_83 = arith.constant 15 : i32
    %scan3A_84 = arith.addi %scan3A_82, %scan3A_83 : i32
    %scan3A_85 = arith.constant 1 : i32
    scf.for %scan3A_182 = %scan3A_82 to %scan3A_84 step %scan3A_85  : i32 {
      %mul3A_183 = arith.constant 8 : i32
      %mul3A_184 = arith.muli %scan3A_182, %mul3A_183 : i32
      %add3A_185 = arith.constant 0 : i32
      %add3A_186 = arith.addi %mul3A_184, %add3A_185 : i32
      %dma_wait3A_187 = arith.constant 0 : i32
      %dma_wait3A_188 = arith.constant 0 : i32
      %dma_wait3A_189 = arith.constant 0 : i32
      %dma_wait3A_190 = tpu.memref_slice %arg6[%dma_wait3A_188, %dma_wait3A_189] : memref<400x64xf32, #tpu.memory_space<vmem>> -> memref<50x64xf32, #tpu.memory_space<vmem>>
      %dma_wait3A_191 = arith.constant 0 : i32
      %dma_wait3A_192 = tpu.memref_slice %arg5[%dma_wait3A_187, %dma_wait3A_191] : memref<128x50xi32, #tpu.memory_space<vmem>> -> memref<1x50xi32, #tpu.memory_space<vmem>>
      %dma_wait3A_193 = tpu.memref_squeeze %dma_wait3A_192 : memref<1x50xi32, #tpu.memory_space<vmem>> -> memref<50xi32, #tpu.memory_space<vmem>>
      %dma_wait3A_194 = arith.constant 0 : i32
      %dma_wait3A_195 = arith.constant 0 : i32
      %dma_wait3A_196 = tpu.memref_slice %arg3[%dma_wait3A_194, %dma_wait3A_195] : memref<1000000x64xf32, #tpu.memory_space<hbm>> -> memref<1000000x64xf32, #tpu.memory_space<hbm>>
      tpu.wait_indirect_dma semaphore(%arg7 : memref<!tpu.dma_semaphore, #tpu.memory_space<semaphore_mem>>) src(%dma_wait3A_196 : memref<1000000x64xf32, #tpu.memory_space<hbm>>) dst(%dma_wait3A_190 : memref<50x64xf32, #tpu.memory_space<vmem>>)
      %add3A_197 = arith.addi %mul3A_2, %add3A_186 : i32
      "tpu.region"() ({
        %run_scoped3A = tpu.sem_alloc : memref<!tpu.dma_semaphore, #tpu.memory_space<semaphore_mem>>
        %dma_start3A_391 = arith.constant 0 : i32
        %dma_start3A_392 = arith.constant 0 : i32
        %dma_start3A_393 = tpu.memref_slice %arg6[%dma_start3A_391, %dma_start3A_392] : memref<400x64xf32, #tpu.memory_space<vmem>> -> memref<50x64xf32, #tpu.memory_space<vmem>>
        %dma_start3A_394 = arith.constant 0 : i32
        %dma_start3A_395 = arith.constant 0 : i32
        %dma_start3A_396 = tpu.memref_slice %arg4[%add3A_197, %dma_start3A_394, %dma_start3A_395] : memref<4096x50x64xf32, #tpu.memory_space<hbm>> -> memref<1x50x64xf32, #tpu.memory_space<hbm>>
        %dma_start3A_397 = tpu.memref_squeeze %dma_start3A_396 : memref<1x50x64xf32, #tpu.memory_space<hbm>> -> memref<50x64xf32, #tpu.memory_space<hbm>>
        %dma_start3A_398 = arith.constant 0 : i32
        %dma_start3A_399 = arith.constant 0 : i32
        %dma_start3A_400 = tpu.memref_slice %arg4[%add3A_197, %dma_start3A_398, %dma_start3A_399] : memref<4096x50x64xf32, #tpu.memory_space<hbm>> -> memref<1x50x64xf32, #tpu.memory_space<hbm>>
        %dma_start3A_401 = tpu.memref_squeeze %dma_start3A_400 : memref<1x50x64xf32, #tpu.memory_space<hbm>> -> memref<50x64xf32, #tpu.memory_space<hbm>>
        %dma_start3A_402 = arith.constant 0 : i32
        %dma_start3A_403 = arith.constant 0 : i32
        %dma_start3A_404 = tpu.memref_slice %arg6[%dma_start3A_402, %dma_start3A_403] : memref<400x64xf32, #tpu.memory_space<vmem>> -> memref<50x64xf32, #tpu.memory_space<vmem>>
        tpu.enqueue_dma source(%dma_start3A_404 : memref<50x64xf32, #tpu.memory_space<vmem>>) target(%dma_start3A_401 : memref<50x64xf32, #tpu.memory_space<hbm>>) target_semaphore(%run_scoped3A : memref<!tpu.dma_semaphore, #tpu.memory_space<semaphore_mem>>)
        %dma_wait3A_405 = arith.constant 0 : i32
        %dma_wait3A_406 = arith.constant 0 : i32
        %dma_wait3A_407 = tpu.memref_slice %arg6[%dma_wait3A_405, %dma_wait3A_406] : memref<400x64xf32, #tpu.memory_space<vmem>> -> memref<50x64xf32, #tpu.memory_space<vmem>>
        %dma_wait3A_408 = arith.constant 0 : i32
        %dma_wait3A_409 = arith.constant 0 : i32
        %dma_wait3A_410 = tpu.memref_slice %arg4[%add3A_197, %dma_wait3A_408, %dma_wait3A_409] : memref<4096x50x64xf32, #tpu.memory_space<hbm>> -> memref<1x50x64xf32, #tpu.memory_space<hbm>>
        %dma_wait3A_411 = tpu.memref_squeeze %dma_wait3A_410 : memref<1x50x64xf32, #tpu.memory_space<hbm>> -> memref<50x64xf32, #tpu.memory_space<hbm>>
        %dma_wait3A_412 = arith.constant 0 : i32
        %dma_wait3A_413 = arith.constant 0 : i32
        %dma_wait3A_414 = tpu.memref_slice %arg4[%add3A_197, %dma_wait3A_412, %dma_wait3A_413] : memref<4096x50x64xf32, #tpu.memory_space<hbm>> -> memref<1x50x64xf32, #tpu.memory_space<hbm>>
        %dma_wait3A_415 = tpu.memref_squeeze %dma_wait3A_414 : memref<1x50x64xf32, #tpu.memory_space<hbm>> -> memref<50x64xf32, #tpu.memory_space<hbm>>
        %dma_wait3A_416 = arith.constant 0 : i32
        %dma_wait3A_417 = arith.constant 0 : i32
        %dma_wait3A_418 = tpu.memref_slice %arg6[%dma_wait3A_416, %dma_wait3A_417] : memref<400x64xf32, #tpu.memory_space<vmem>> -> memref<50x64xf32, #tpu.memory_space<vmem>>
        tpu.wait_dma2 semaphore(%run_scoped3A : memref<!tpu.dma_semaphore, #tpu.memory_space<semaphore_mem>>) src(%dma_wait3A_418 : memref<50x64xf32, #tpu.memory_space<vmem>>) dst(%dma_wait3A_415 : memref<50x64xf32, #tpu.memory_space<hbm>>)
        tpu.yield
      }) : () -> ()
      %add3A_198 = arith.constant 8 : i32
      %add3A_199 = arith.addi %add3A_186, %add3A_198 : i32
      %dma_start3A_200 = arith.constant 0 : i32
      %dma_start3A_201 = arith.constant 0 : i32
      %dma_start3A_202 = tpu.memref_slice %arg6[%dma_start3A_200, %dma_start3A_201] : memref<400x64xf32, #tpu.memory_space<vmem>> -> memref<50x64xf32, #tpu.memory_space<vmem>>
      %dma_start3A_203 = arith.constant 0 : i32
      %dma_start3A_204 = tpu.memref_slice %arg5[%add3A_199, %dma_start3A_203] : memref<128x50xi32, #tpu.memory_space<vmem>> -> memref<1x50xi32, #tpu.memory_space<vmem>>
      %dma_start3A_205 = tpu.memref_squeeze %dma_start3A_204 : memref<1x50xi32, #tpu.memory_space<vmem>> -> memref<50xi32, #tpu.memory_space<vmem>>
      %dma_start3A_206 = arith.constant 0 : i32
      %dma_start3A_207 = arith.constant 0 : i32
      %dma_start3A_208 = tpu.memref_slice %arg3[%dma_start3A_206, %dma_start3A_207] : memref<1000000x64xf32, #tpu.memory_space<hbm>> -> memref<1000000x64xf32, #tpu.memory_space<hbm>>
      tpu.enqueue_indirect_dma source(%dma_start3A_208 : memref<1000000x64xf32, #tpu.memory_space<hbm>>) target(%dma_start3A_202 : memref<50x64xf32, #tpu.memory_space<vmem>>) offsets(%dma_start3A_205 : memref<50xi32, #tpu.memory_space<vmem>>) semaphore(%arg7 : memref<!tpu.dma_semaphore, #tpu.memory_space<semaphore_mem>>)
      %mul3A_209 = arith.constant 8 : i32
      %mul3A_210 = arith.muli %scan3A_182, %mul3A_209 : i32
      %add3A_211 = arith.constant 1 : i32
      %add3A_212 = arith.addi %mul3A_210, %add3A_211 : i32
      %dma_wait3A_213 = arith.constant 1 : i32
      %dma_wait3A_214 = arith.constant 50 : i32
      %dma_wait3A_215 = arith.constant 0 : i32
      %dma_wait3A_216 = tpu.memref_slice %arg6[%dma_wait3A_214, %dma_wait3A_215] : memref<400x64xf32, #tpu.memory_space<vmem>> -> memref<50x64xf32, #tpu.memory_space<vmem>>
      %dma_wait3A_217 = arith.constant 0 : i32
      %dma_wait3A_218 = tpu.memref_slice %arg5[%dma_wait3A_213, %dma_wait3A_217] : memref<128x50xi32, #tpu.memory_space<vmem>> -> memref<1x50xi32, #tpu.memory_space<vmem>>
      %dma_wait3A_219 = tpu.memref_squeeze %dma_wait3A_218 : memref<1x50xi32, #tpu.memory_space<vmem>> -> memref<50xi32, #tpu.memory_space<vmem>>
      %dma_wait3A_220 = arith.constant 0 : i32
      %dma_wait3A_221 = arith.constant 0 : i32
      %dma_wait3A_222 = tpu.memref_slice %arg3[%dma_wait3A_220, %dma_wait3A_221] : memref<1000000x64xf32, #tpu.memory_space<hbm>> -> memref<1000000x64xf32, #tpu.memory_space<hbm>>
      tpu.wait_indirect_dma semaphore(%arg8 : memref<!tpu.dma_semaphore, #tpu.memory_space<semaphore_mem>>) src(%dma_wait3A_222 : memref<1000000x64xf32, #tpu.memory_space<hbm>>) dst(%dma_wait3A_216 : memref<50x64xf32, #tpu.memory_space<vmem>>)
      %add3A_223 = arith.addi %mul3A_2, %add3A_212 : i32
      "tpu.region"() ({
        %run_scoped3A = tpu.sem_alloc : memref<!tpu.dma_semaphore, #tpu.memory_space<semaphore_mem>>
        %dma_start3A_391 = arith.constant 50 : i32
        %dma_start3A_392 = arith.constant 0 : i32
        %dma_start3A_393 = tpu.memref_slice %arg6[%dma_start3A_391, %dma_start3A_392] : memref<400x64xf32, #tpu.memory_space<vmem>> -> memref<50x64xf32, #tpu.memory_space<vmem>>
        %dma_start3A_394 = arith.constant 0 : i32
        %dma_start3A_395 = arith.constant 0 : i32
        %dma_start3A_396 = tpu.memref_slice %arg4[%add3A_223, %dma_start3A_394, %dma_start3A_395] : memref<4096x50x64xf32, #tpu.memory_space<hbm>> -> memref<1x50x64xf32, #tpu.memory_space<hbm>>
        %dma_start3A_397 = tpu.memref_squeeze %dma_start3A_396 : memref<1x50x64xf32, #tpu.memory_space<hbm>> -> memref<50x64xf32, #tpu.memory_space<hbm>>
        %dma_start3A_398 = arith.constant 0 : i32
        %dma_start3A_399 = arith.constant 0 : i32
        %dma_start3A_400 = tpu.memref_slice %arg4[%add3A_223, %dma_start3A_398, %dma_start3A_399] : memref<4096x50x64xf32, #tpu.memory_space<hbm>> -> memref<1x50x64xf32, #tpu.memory_space<hbm>>
        %dma_start3A_401 = tpu.memref_squeeze %dma_start3A_400 : memref<1x50x64xf32, #tpu.memory_space<hbm>> -> memref<50x64xf32, #tpu.memory_space<hbm>>
        %dma_start3A_402 = arith.constant 50 : i32
        %dma_start3A_403 = arith.constant 0 : i32
        %dma_start3A_404 = tpu.memref_slice %arg6[%dma_start3A_402, %dma_start3A_403] : memref<400x64xf32, #tpu.memory_space<vmem>> -> memref<50x64xf32, #tpu.memory_space<vmem>>
        tpu.enqueue_dma source(%dma_start3A_404 : memref<50x64xf32, #tpu.memory_space<vmem>>) target(%dma_start3A_401 : memref<50x64xf32, #tpu.memory_space<hbm>>) target_semaphore(%run_scoped3A : memref<!tpu.dma_semaphore, #tpu.memory_space<semaphore_mem>>)
        %dma_wait3A_405 = arith.constant 50 : i32
        %dma_wait3A_406 = arith.constant 0 : i32
        %dma_wait3A_407 = tpu.memref_slice %arg6[%dma_wait3A_405, %dma_wait3A_406] : memref<400x64xf32, #tpu.memory_space<vmem>> -> memref<50x64xf32, #tpu.memory_space<vmem>>
        %dma_wait3A_408 = arith.constant 0 : i32
        %dma_wait3A_409 = arith.constant 0 : i32
        %dma_wait3A_410 = tpu.memref_slice %arg4[%add3A_223, %dma_wait3A_408, %dma_wait3A_409] : memref<4096x50x64xf32, #tpu.memory_space<hbm>> -> memref<1x50x64xf32, #tpu.memory_space<hbm>>
        %dma_wait3A_411 = tpu.memref_squeeze %dma_wait3A_410 : memref<1x50x64xf32, #tpu.memory_space<hbm>> -> memref<50x64xf32, #tpu.memory_space<hbm>>
        %dma_wait3A_412 = arith.constant 0 : i32
        %dma_wait3A_413 = arith.constant 0 : i32
        %dma_wait3A_414 = tpu.memref_slice %arg4[%add3A_223, %dma_wait3A_412, %dma_wait3A_413] : memref<4096x50x64xf32, #tpu.memory_space<hbm>> -> memref<1x50x64xf32, #tpu.memory_space<hbm>>
        %dma_wait3A_415 = tpu.memref_squeeze %dma_wait3A_414 : memref<1x50x64xf32, #tpu.memory_space<hbm>> -> memref<50x64xf32, #tpu.memory_space<hbm>>
        %dma_wait3A_416 = arith.constant 50 : i32
        %dma_wait3A_417 = arith.constant 0 : i32
        %dma_wait3A_418 = tpu.memref_slice %arg6[%dma_wait3A_416, %dma_wait3A_417] : memref<400x64xf32, #tpu.memory_space<vmem>> -> memref<50x64xf32, #tpu.memory_space<vmem>>
        tpu.wait_dma2 semaphore(%run_scoped3A : memref<!tpu.dma_semaphore, #tpu.memory_space<semaphore_mem>>) src(%dma_wait3A_418 : memref<50x64xf32, #tpu.memory_space<vmem>>) dst(%dma_wait3A_415 : memref<50x64xf32, #tpu.memory_space<hbm>>)
        tpu.yield
      }) : () -> ()
      %add3A_224 = arith.constant 8 : i32
      %add3A_225 = arith.addi %add3A_212, %add3A_224 : i32
      %dma_start3A_226 = arith.constant 50 : i32
      %dma_start3A_227 = arith.constant 0 : i32
      %dma_start3A_228 = tpu.memref_slice %arg6[%dma_start3A_226, %dma_start3A_227] : memref<400x64xf32, #tpu.memory_space<vmem>> -> memref<50x64xf32, #tpu.memory_space<vmem>>
      %dma_start3A_229 = arith.constant 0 : i32
      %dma_start3A_230 = tpu.memref_slice %arg5[%add3A_225, %dma_start3A_229] : memref<128x50xi32, #tpu.memory_space<vmem>> -> memref<1x50xi32, #tpu.memory_space<vmem>>
      %dma_start3A_231 = tpu.memref_squeeze %dma_start3A_230 : memref<1x50xi32, #tpu.memory_space<vmem>> -> memref<50xi32, #tpu.memory_space<vmem>>
      %dma_start3A_232 = arith.constant 0 : i32
      %dma_start3A_233 = arith.constant 0 : i32
      %dma_start3A_234 = tpu.memref_slice %arg3[%dma_start3A_232, %dma_start3A_233] : memref<1000000x64xf32, #tpu.memory_space<hbm>> -> memref<1000000x64xf32, #tpu.memory_space<hbm>>
      tpu.enqueue_indirect_dma source(%dma_start3A_234 : memref<1000000x64xf32, #tpu.memory_space<hbm>>) target(%dma_start3A_228 : memref<50x64xf32, #tpu.memory_space<vmem>>) offsets(%dma_start3A_231 : memref<50xi32, #tpu.memory_space<vmem>>) semaphore(%arg8 : memref<!tpu.dma_semaphore, #tpu.memory_space<semaphore_mem>>)
      %mul3A_235 = arith.constant 8 : i32
      %mul3A_236 = arith.muli %scan3A_182, %mul3A_235 : i32
      %add3A_237 = arith.constant 2 : i32
      %add3A_238 = arith.addi %mul3A_236, %add3A_237 : i32
      %dma_wait3A_239 = arith.constant 2 : i32
      %dma_wait3A_240 = arith.constant 100 : i32
      %dma_wait3A_241 = arith.constant 0 : i32
      %dma_wait3A_242 = tpu.memref_slice %arg6[%dma_wait3A_240, %dma_wait3A_241] : memref<400x64xf32, #tpu.memory_space<vmem>> -> memref<50x64xf32, #tpu.memory_space<vmem>>
      %dma_wait3A_243 = arith.constant 0 : i32
      %dma_wait3A_244 = tpu.memref_slice %arg5[%dma_wait3A_239, %dma_wait3A_243] : memref<128x50xi32, #tpu.memory_space<vmem>> -> memref<1x50xi32, #tpu.memory_space<vmem>>
      %dma_wait3A_245 = tpu.memref_squeeze %dma_wait3A_244 : memref<1x50xi32, #tpu.memory_space<vmem>> -> memref<50xi32, #tpu.memory_space<vmem>>
      %dma_wait3A_246 = arith.constant 0 : i32
      %dma_wait3A_247 = arith.constant 0 : i32
      %dma_wait3A_248 = tpu.memref_slice %arg3[%dma_wait3A_246, %dma_wait3A_247] : memref<1000000x64xf32, #tpu.memory_space<hbm>> -> memref<1000000x64xf32, #tpu.memory_space<hbm>>
      tpu.wait_indirect_dma semaphore(%arg9 : memref<!tpu.dma_semaphore, #tpu.memory_space<semaphore_mem>>) src(%dma_wait3A_248 : memref<1000000x64xf32, #tpu.memory_space<hbm>>) dst(%dma_wait3A_242 : memref<50x64xf32, #tpu.memory_space<vmem>>)
      %add3A_249 = arith.addi %mul3A_2, %add3A_238 : i32
      "tpu.region"() ({
        %run_scoped3A = tpu.sem_alloc : memref<!tpu.dma_semaphore, #tpu.memory_space<semaphore_mem>>
        %dma_start3A_391 = arith.constant 100 : i32
        %dma_start3A_392 = arith.constant 0 : i32
        %dma_start3A_393 = tpu.memref_slice %arg6[%dma_start3A_391, %dma_start3A_392] : memref<400x64xf32, #tpu.memory_space<vmem>> -> memref<50x64xf32, #tpu.memory_space<vmem>>
        %dma_start3A_394 = arith.constant 0 : i32
        %dma_start3A_395 = arith.constant 0 : i32
        %dma_start3A_396 = tpu.memref_slice %arg4[%add3A_249, %dma_start3A_394, %dma_start3A_395] : memref<4096x50x64xf32, #tpu.memory_space<hbm>> -> memref<1x50x64xf32, #tpu.memory_space<hbm>>
        %dma_start3A_397 = tpu.memref_squeeze %dma_start3A_396 : memref<1x50x64xf32, #tpu.memory_space<hbm>> -> memref<50x64xf32, #tpu.memory_space<hbm>>
        %dma_start3A_398 = arith.constant 0 : i32
        %dma_start3A_399 = arith.constant 0 : i32
        %dma_start3A_400 = tpu.memref_slice %arg4[%add3A_249, %dma_start3A_398, %dma_start3A_399] : memref<4096x50x64xf32, #tpu.memory_space<hbm>> -> memref<1x50x64xf32, #tpu.memory_space<hbm>>
        %dma_start3A_401 = tpu.memref_squeeze %dma_start3A_400 : memref<1x50x64xf32, #tpu.memory_space<hbm>> -> memref<50x64xf32, #tpu.memory_space<hbm>>
        %dma_start3A_402 = arith.constant 100 : i32
        %dma_start3A_403 = arith.constant 0 : i32
        %dma_start3A_404 = tpu.memref_slice %arg6[%dma_start3A_402, %dma_start3A_403] : memref<400x64xf32, #tpu.memory_space<vmem>> -> memref<50x64xf32, #tpu.memory_space<vmem>>
        tpu.enqueue_dma source(%dma_start3A_404 : memref<50x64xf32, #tpu.memory_space<vmem>>) target(%dma_start3A_401 : memref<50x64xf32, #tpu.memory_space<hbm>>) target_semaphore(%run_scoped3A : memref<!tpu.dma_semaphore, #tpu.memory_space<semaphore_mem>>)
        %dma_wait3A_405 = arith.constant 100 : i32
        %dma_wait3A_406 = arith.constant 0 : i32
        %dma_wait3A_407 = tpu.memref_slice %arg6[%dma_wait3A_405, %dma_wait3A_406] : memref<400x64xf32, #tpu.memory_space<vmem>> -> memref<50x64xf32, #tpu.memory_space<vmem>>
        %dma_wait3A_408 = arith.constant 0 : i32
        %dma_wait3A_409 = arith.constant 0 : i32
        %dma_wait3A_410 = tpu.memref_slice %arg4[%add3A_249, %dma_wait3A_408, %dma_wait3A_409] : memref<4096x50x64xf32, #tpu.memory_space<hbm>> -> memref<1x50x64xf32, #tpu.memory_space<hbm>>
        %dma_wait3A_411 = tpu.memref_squeeze %dma_wait3A_410 : memref<1x50x64xf32, #tpu.memory_space<hbm>> -> memref<50x64xf32, #tpu.memory_space<hbm>>
        %dma_wait3A_412 = arith.constant 0 : i32
        %dma_wait3A_413 = arith.constant 0 : i32
        %dma_wait3A_414 = tpu.memref_slice %arg4[%add3A_249, %dma_wait3A_412, %dma_wait3A_413] : memref<4096x50x64xf32, #tpu.memory_space<hbm>> -> memref<1x50x64xf32, #tpu.memory_space<hbm>>
        %dma_wait3A_415 = tpu.memref_squeeze %dma_wait3A_414 : memref<1x50x64xf32, #tpu.memory_space<hbm>> -> memref<50x64xf32, #tpu.memory_space<hbm>>
        %dma_wait3A_416 = arith.constant 100 : i32
        %dma_wait3A_417 = arith.constant 0 : i32
        %dma_wait3A_418 = tpu.memref_slice %arg6[%dma_wait3A_416, %dma_wait3A_417] : memref<400x64xf32, #tpu.memory_space<vmem>> -> memref<50x64xf32, #tpu.memory_space<vmem>>
        tpu.wait_dma2 semaphore(%run_scoped3A : memref<!tpu.dma_semaphore, #tpu.memory_space<semaphore_mem>>) src(%dma_wait3A_418 : memref<50x64xf32, #tpu.memory_space<vmem>>) dst(%dma_wait3A_415 : memref<50x64xf32, #tpu.memory_space<hbm>>)
        tpu.yield
      }) : () -> ()
      %add3A_250 = arith.constant 8 : i32
      %add3A_251 = arith.addi %add3A_238, %add3A_250 : i32
      %dma_start3A_252 = arith.constant 100 : i32
      %dma_start3A_253 = arith.constant 0 : i32
      %dma_start3A_254 = tpu.memref_slice %arg6[%dma_start3A_252, %dma_start3A_253] : memref<400x64xf32, #tpu.memory_space<vmem>> -> memref<50x64xf32, #tpu.memory_space<vmem>>
      %dma_start3A_255 = arith.constant 0 : i32
      %dma_start3A_256 = tpu.memref_slice %arg5[%add3A_251, %dma_start3A_255] : memref<128x50xi32, #tpu.memory_space<vmem>> -> memref<1x50xi32, #tpu.memory_space<vmem>>
      %dma_start3A_257 = tpu.memref_squeeze %dma_start3A_256 : memref<1x50xi32, #tpu.memory_space<vmem>> -> memref<50xi32, #tpu.memory_space<vmem>>
      %dma_start3A_258 = arith.constant 0 : i32
      %dma_start3A_259 = arith.constant 0 : i32
      %dma_start3A_260 = tpu.memref_slice %arg3[%dma_start3A_258, %dma_start3A_259] : memref<1000000x64xf32, #tpu.memory_space<hbm>> -> memref<1000000x64xf32, #tpu.memory_space<hbm>>
      tpu.enqueue_indirect_dma source(%dma_start3A_260 : memref<1000000x64xf32, #tpu.memory_space<hbm>>) target(%dma_start3A_254 : memref<50x64xf32, #tpu.memory_space<vmem>>) offsets(%dma_start3A_257 : memref<50xi32, #tpu.memory_space<vmem>>) semaphore(%arg9 : memref<!tpu.dma_semaphore, #tpu.memory_space<semaphore_mem>>)
      %mul3A_261 = arith.constant 8 : i32
      %mul3A_262 = arith.muli %scan3A_182, %mul3A_261 : i32
      %add3A_263 = arith.constant 3 : i32
      %add3A_264 = arith.addi %mul3A_262, %add3A_263 : i32
      %dma_wait3A_265 = arith.constant 3 : i32
      %dma_wait3A_266 = arith.constant 150 : i32
      %dma_wait3A_267 = arith.constant 0 : i32
      %dma_wait3A_268 = tpu.memref_slice %arg6[%dma_wait3A_266, %dma_wait3A_267] : memref<400x64xf32, #tpu.memory_space<vmem>> -> memref<50x64xf32, #tpu.memory_space<vmem>>
      %dma_wait3A_269 = arith.constant 0 : i32
      %dma_wait3A_270 = tpu.memref_slice %arg5[%dma_wait3A_265, %dma_wait3A_269] : memref<128x50xi32, #tpu.memory_space<vmem>> -> memref<1x50xi32, #tpu.memory_space<vmem>>
      %dma_wait3A_271 = tpu.memref_squeeze %dma_wait3A_270 : memref<1x50xi32, #tpu.memory_space<vmem>> -> memref<50xi32, #tpu.memory_space<vmem>>
      %dma_wait3A_272 = arith.constant 0 : i32
      %dma_wait3A_273 = arith.constant 0 : i32
      %dma_wait3A_274 = tpu.memref_slice %arg3[%dma_wait3A_272, %dma_wait3A_273] : memref<1000000x64xf32, #tpu.memory_space<hbm>> -> memref<1000000x64xf32, #tpu.memory_space<hbm>>
      tpu.wait_indirect_dma semaphore(%arg10 : memref<!tpu.dma_semaphore, #tpu.memory_space<semaphore_mem>>) src(%dma_wait3A_274 : memref<1000000x64xf32, #tpu.memory_space<hbm>>) dst(%dma_wait3A_268 : memref<50x64xf32, #tpu.memory_space<vmem>>)
      %add3A_275 = arith.addi %mul3A_2, %add3A_264 : i32
      "tpu.region"() ({
        %run_scoped3A = tpu.sem_alloc : memref<!tpu.dma_semaphore, #tpu.memory_space<semaphore_mem>>
        %dma_start3A_391 = arith.constant 150 : i32
        %dma_start3A_392 = arith.constant 0 : i32
        %dma_start3A_393 = tpu.memref_slice %arg6[%dma_start3A_391, %dma_start3A_392] : memref<400x64xf32, #tpu.memory_space<vmem>> -> memref<50x64xf32, #tpu.memory_space<vmem>>
        %dma_start3A_394 = arith.constant 0 : i32
        %dma_start3A_395 = arith.constant 0 : i32
        %dma_start3A_396 = tpu.memref_slice %arg4[%add3A_275, %dma_start3A_394, %dma_start3A_395] : memref<4096x50x64xf32, #tpu.memory_space<hbm>> -> memref<1x50x64xf32, #tpu.memory_space<hbm>>
        %dma_start3A_397 = tpu.memref_squeeze %dma_start3A_396 : memref<1x50x64xf32, #tpu.memory_space<hbm>> -> memref<50x64xf32, #tpu.memory_space<hbm>>
        %dma_start3A_398 = arith.constant 0 : i32
        %dma_start3A_399 = arith.constant 0 : i32
        %dma_start3A_400 = tpu.memref_slice %arg4[%add3A_275, %dma_start3A_398, %dma_start3A_399] : memref<4096x50x64xf32, #tpu.memory_space<hbm>> -> memref<1x50x64xf32, #tpu.memory_space<hbm>>
        %dma_start3A_401 = tpu.memref_squeeze %dma_start3A_400 : memref<1x50x64xf32, #tpu.memory_space<hbm>> -> memref<50x64xf32, #tpu.memory_space<hbm>>
        %dma_start3A_402 = arith.constant 150 : i32
        %dma_start3A_403 = arith.constant 0 : i32
        %dma_start3A_404 = tpu.memref_slice %arg6[%dma_start3A_402, %dma_start3A_403] : memref<400x64xf32, #tpu.memory_space<vmem>> -> memref<50x64xf32, #tpu.memory_space<vmem>>
        tpu.enqueue_dma source(%dma_start3A_404 : memref<50x64xf32, #tpu.memory_space<vmem>>) target(%dma_start3A_401 : memref<50x64xf32, #tpu.memory_space<hbm>>) target_semaphore(%run_scoped3A : memref<!tpu.dma_semaphore, #tpu.memory_space<semaphore_mem>>)
        %dma_wait3A_405 = arith.constant 150 : i32
        %dma_wait3A_406 = arith.constant 0 : i32
        %dma_wait3A_407 = tpu.memref_slice %arg6[%dma_wait3A_405, %dma_wait3A_406] : memref<400x64xf32, #tpu.memory_space<vmem>> -> memref<50x64xf32, #tpu.memory_space<vmem>>
        %dma_wait3A_408 = arith.constant 0 : i32
        %dma_wait3A_409 = arith.constant 0 : i32
        %dma_wait3A_410 = tpu.memref_slice %arg4[%add3A_275, %dma_wait3A_408, %dma_wait3A_409] : memref<4096x50x64xf32, #tpu.memory_space<hbm>> -> memref<1x50x64xf32, #tpu.memory_space<hbm>>
        %dma_wait3A_411 = tpu.memref_squeeze %dma_wait3A_410 : memref<1x50x64xf32, #tpu.memory_space<hbm>> -> memref<50x64xf32, #tpu.memory_space<hbm>>
        %dma_wait3A_412 = arith.constant 0 : i32
        %dma_wait3A_413 = arith.constant 0 : i32
        %dma_wait3A_414 = tpu.memref_slice %arg4[%add3A_275, %dma_wait3A_412, %dma_wait3A_413] : memref<4096x50x64xf32, #tpu.memory_space<hbm>> -> memref<1x50x64xf32, #tpu.memory_space<hbm>>
        %dma_wait3A_415 = tpu.memref_squeeze %dma_wait3A_414 : memref<1x50x64xf32, #tpu.memory_space<hbm>> -> memref<50x64xf32, #tpu.memory_space<hbm>>
        %dma_wait3A_416 = arith.constant 150 : i32
        %dma_wait3A_417 = arith.constant 0 : i32
        %dma_wait3A_418 = tpu.memref_slice %arg6[%dma_wait3A_416, %dma_wait3A_417] : memref<400x64xf32, #tpu.memory_space<vmem>> -> memref<50x64xf32, #tpu.memory_space<vmem>>
        tpu.wait_dma2 semaphore(%run_scoped3A : memref<!tpu.dma_semaphore, #tpu.memory_space<semaphore_mem>>) src(%dma_wait3A_418 : memref<50x64xf32, #tpu.memory_space<vmem>>) dst(%dma_wait3A_415 : memref<50x64xf32, #tpu.memory_space<hbm>>)
        tpu.yield
      }) : () -> ()
      %add3A_276 = arith.constant 8 : i32
      %add3A_277 = arith.addi %add3A_264, %add3A_276 : i32
      %dma_start3A_278 = arith.constant 150 : i32
      %dma_start3A_279 = arith.constant 0 : i32
      %dma_start3A_280 = tpu.memref_slice %arg6[%dma_start3A_278, %dma_start3A_279] : memref<400x64xf32, #tpu.memory_space<vmem>> -> memref<50x64xf32, #tpu.memory_space<vmem>>
      %dma_start3A_281 = arith.constant 0 : i32
      %dma_start3A_282 = tpu.memref_slice %arg5[%add3A_277, %dma_start3A_281] : memref<128x50xi32, #tpu.memory_space<vmem>> -> memref<1x50xi32, #tpu.memory_space<vmem>>
      %dma_start3A_283 = tpu.memref_squeeze %dma_start3A_282 : memref<1x50xi32, #tpu.memory_space<vmem>> -> memref<50xi32, #tpu.memory_space<vmem>>
      %dma_start3A_284 = arith.constant 0 : i32
      %dma_start3A_285 = arith.constant 0 : i32
      %dma_start3A_286 = tpu.memref_slice %arg3[%dma_start3A_284, %dma_start3A_285] : memref<1000000x64xf32, #tpu.memory_space<hbm>> -> memref<1000000x64xf32, #tpu.memory_space<hbm>>
      tpu.enqueue_indirect_dma source(%dma_start3A_286 : memref<1000000x64xf32, #tpu.memory_space<hbm>>) target(%dma_start3A_280 : memref<50x64xf32, #tpu.memory_space<vmem>>) offsets(%dma_start3A_283 : memref<50xi32, #tpu.memory_space<vmem>>) semaphore(%arg10 : memref<!tpu.dma_semaphore, #tpu.memory_space<semaphore_mem>>)
      %mul3A_287 = arith.constant 8 : i32
      %mul3A_288 = arith.muli %scan3A_182, %mul3A_287 : i32
      %add3A_289 = arith.constant 4 : i32
      %add3A_290 = arith.addi %mul3A_288, %add3A_289 : i32
      %dma_wait3A_291 = arith.constant 4 : i32
      %dma_wait3A_292 = arith.constant 200 : i32
      %dma_wait3A_293 = arith.constant 0 : i32
      %dma_wait3A_294 = tpu.memref_slice %arg6[%dma_wait3A_292, %dma_wait3A_293] : memref<400x64xf32, #tpu.memory_space<vmem>> -> memref<50x64xf32, #tpu.memory_space<vmem>>
      %dma_wait3A_295 = arith.constant 0 : i32
      %dma_wait3A_296 = tpu.memref_slice %arg5[%dma_wait3A_291, %dma_wait3A_295] : memref<128x50xi32, #tpu.memory_space<vmem>> -> memref<1x50xi32, #tpu.memory_space<vmem>>
      %dma_wait3A_297 = tpu.memref_squeeze %dma_wait3A_296 : memref<1x50xi32, #tpu.memory_space<vmem>> -> memref<50xi32, #tpu.memory_space<vmem>>
      %dma_wait3A_298 = arith.constant 0 : i32
      %dma_wait3A_299 = arith.constant 0 : i32
      %dma_wait3A_300 = tpu.memref_slice %arg3[%dma_wait3A_298, %dma_wait3A_299] : memref<1000000x64xf32, #tpu.memory_space<hbm>> -> memref<1000000x64xf32, #tpu.memory_space<hbm>>
      tpu.wait_indirect_dma semaphore(%arg11 : memref<!tpu.dma_semaphore, #tpu.memory_space<semaphore_mem>>) src(%dma_wait3A_300 : memref<1000000x64xf32, #tpu.memory_space<hbm>>) dst(%dma_wait3A_294 : memref<50x64xf32, #tpu.memory_space<vmem>>)
      %add3A_301 = arith.addi %mul3A_2, %add3A_290 : i32
      "tpu.region"() ({
        %run_scoped3A = tpu.sem_alloc : memref<!tpu.dma_semaphore, #tpu.memory_space<semaphore_mem>>
        %dma_start3A_391 = arith.constant 200 : i32
        %dma_start3A_392 = arith.constant 0 : i32
        %dma_start3A_393 = tpu.memref_slice %arg6[%dma_start3A_391, %dma_start3A_392] : memref<400x64xf32, #tpu.memory_space<vmem>> -> memref<50x64xf32, #tpu.memory_space<vmem>>
        %dma_start3A_394 = arith.constant 0 : i32
        %dma_start3A_395 = arith.constant 0 : i32
        %dma_start3A_396 = tpu.memref_slice %arg4[%add3A_301, %dma_start3A_394, %dma_start3A_395] : memref<4096x50x64xf32, #tpu.memory_space<hbm>> -> memref<1x50x64xf32, #tpu.memory_space<hbm>>
        %dma_start3A_397 = tpu.memref_squeeze %dma_start3A_396 : memref<1x50x64xf32, #tpu.memory_space<hbm>> -> memref<50x64xf32, #tpu.memory_space<hbm>>
        %dma_start3A_398 = arith.constant 0 : i32
        %dma_start3A_399 = arith.constant 0 : i32
        %dma_start3A_400 = tpu.memref_slice %arg4[%add3A_301, %dma_start3A_398, %dma_start3A_399] : memref<4096x50x64xf32, #tpu.memory_space<hbm>> -> memref<1x50x64xf32, #tpu.memory_space<hbm>>
        %dma_start3A_401 = tpu.memref_squeeze %dma_start3A_400 : memref<1x50x64xf32, #tpu.memory_space<hbm>> -> memref<50x64xf32, #tpu.memory_space<hbm>>
        %dma_start3A_402 = arith.constant 200 : i32
        %dma_start3A_403 = arith.constant 0 : i32
        %dma_start3A_404 = tpu.memref_slice %arg6[%dma_start3A_402, %dma_start3A_403] : memref<400x64xf32, #tpu.memory_space<vmem>> -> memref<50x64xf32, #tpu.memory_space<vmem>>
        tpu.enqueue_dma source(%dma_start3A_404 : memref<50x64xf32, #tpu.memory_space<vmem>>) target(%dma_start3A_401 : memref<50x64xf32, #tpu.memory_space<hbm>>) target_semaphore(%run_scoped3A : memref<!tpu.dma_semaphore, #tpu.memory_space<semaphore_mem>>)
        %dma_wait3A_405 = arith.constant 200 : i32
        %dma_wait3A_406 = arith.constant 0 : i32
        %dma_wait3A_407 = tpu.memref_slice %arg6[%dma_wait3A_405, %dma_wait3A_406] : memref<400x64xf32, #tpu.memory_space<vmem>> -> memref<50x64xf32, #tpu.memory_space<vmem>>
        %dma_wait3A_408 = arith.constant 0 : i32
        %dma_wait3A_409 = arith.constant 0 : i32
        %dma_wait3A_410 = tpu.memref_slice %arg4[%add3A_301, %dma_wait3A_408, %dma_wait3A_409] : memref<4096x50x64xf32, #tpu.memory_space<hbm>> -> memref<1x50x64xf32, #tpu.memory_space<hbm>>
        %dma_wait3A_411 = tpu.memref_squeeze %dma_wait3A_410 : memref<1x50x64xf32, #tpu.memory_space<hbm>> -> memref<50x64xf32, #tpu.memory_space<hbm>>
        %dma_wait3A_412 = arith.constant 0 : i32
        %dma_wait3A_413 = arith.constant 0 : i32
        %dma_wait3A_414 = tpu.memref_slice %arg4[%add3A_301, %dma_wait3A_412, %dma_wait3A_413] : memref<4096x50x64xf32, #tpu.memory_space<hbm>> -> memref<1x50x64xf32, #tpu.memory_space<hbm>>
        %dma_wait3A_415 = tpu.memref_squeeze %dma_wait3A_414 : memref<1x50x64xf32, #tpu.memory_space<hbm>> -> memref<50x64xf32, #tpu.memory_space<hbm>>
        %dma_wait3A_416 = arith.constant 200 : i32
        %dma_wait3A_417 = arith.constant 0 : i32
        %dma_wait3A_418 = tpu.memref_slice %arg6[%dma_wait3A_416, %dma_wait3A_417] : memref<400x64xf32, #tpu.memory_space<vmem>> -> memref<50x64xf32, #tpu.memory_space<vmem>>
        tpu.wait_dma2 semaphore(%run_scoped3A : memref<!tpu.dma_semaphore, #tpu.memory_space<semaphore_mem>>) src(%dma_wait3A_418 : memref<50x64xf32, #tpu.memory_space<vmem>>) dst(%dma_wait3A_415 : memref<50x64xf32, #tpu.memory_space<hbm>>)
        tpu.yield
      }) : () -> ()
      %add3A_302 = arith.constant 8 : i32
      %add3A_303 = arith.addi %add3A_290, %add3A_302 : i32
      %dma_start3A_304 = arith.constant 200 : i32
      %dma_start3A_305 = arith.constant 0 : i32
      %dma_start3A_306 = tpu.memref_slice %arg6[%dma_start3A_304, %dma_start3A_305] : memref<400x64xf32, #tpu.memory_space<vmem>> -> memref<50x64xf32, #tpu.memory_space<vmem>>
      %dma_start3A_307 = arith.constant 0 : i32
      %dma_start3A_308 = tpu.memref_slice %arg5[%add3A_303, %dma_start3A_307] : memref<128x50xi32, #tpu.memory_space<vmem>> -> memref<1x50xi32, #tpu.memory_space<vmem>>
      %dma_start3A_309 = tpu.memref_squeeze %dma_start3A_308 : memref<1x50xi32, #tpu.memory_space<vmem>> -> memref<50xi32, #tpu.memory_space<vmem>>
      %dma_start3A_310 = arith.constant 0 : i32
      %dma_start3A_311 = arith.constant 0 : i32
      %dma_start3A_312 = tpu.memref_slice %arg3[%dma_start3A_310, %dma_start3A_311] : memref<1000000x64xf32, #tpu.memory_space<hbm>> -> memref<1000000x64xf32, #tpu.memory_space<hbm>>
      tpu.enqueue_indirect_dma source(%dma_start3A_312 : memref<1000000x64xf32, #tpu.memory_space<hbm>>) target(%dma_start3A_306 : memref<50x64xf32, #tpu.memory_space<vmem>>) offsets(%dma_start3A_309 : memref<50xi32, #tpu.memory_space<vmem>>) semaphore(%arg11 : memref<!tpu.dma_semaphore, #tpu.memory_space<semaphore_mem>>)
      %mul3A_313 = arith.constant 8 : i32
      %mul3A_314 = arith.muli %scan3A_182, %mul3A_313 : i32
      %add3A_315 = arith.constant 5 : i32
      %add3A_316 = arith.addi %mul3A_314, %add3A_315 : i32
      %dma_wait3A_317 = arith.constant 5 : i32
      %dma_wait3A_318 = arith.constant 250 : i32
      %dma_wait3A_319 = arith.constant 0 : i32
      %dma_wait3A_320 = tpu.memref_slice %arg6[%dma_wait3A_318, %dma_wait3A_319] : memref<400x64xf32, #tpu.memory_space<vmem>> -> memref<50x64xf32, #tpu.memory_space<vmem>>
      %dma_wait3A_321 = arith.constant 0 : i32
      %dma_wait3A_322 = tpu.memref_slice %arg5[%dma_wait3A_317, %dma_wait3A_321] : memref<128x50xi32, #tpu.memory_space<vmem>> -> memref<1x50xi32, #tpu.memory_space<vmem>>
      %dma_wait3A_323 = tpu.memref_squeeze %dma_wait3A_322 : memref<1x50xi32, #tpu.memory_space<vmem>> -> memref<50xi32, #tpu.memory_space<vmem>>
      %dma_wait3A_324 = arith.constant 0 : i32
      %dma_wait3A_325 = arith.constant 0 : i32
      %dma_wait3A_326 = tpu.memref_slice %arg3[%dma_wait3A_324, %dma_wait3A_325] : memref<1000000x64xf32, #tpu.memory_space<hbm>> -> memref<1000000x64xf32, #tpu.memory_space<hbm>>
      tpu.wait_indirect_dma semaphore(%arg12 : memref<!tpu.dma_semaphore, #tpu.memory_space<semaphore_mem>>) src(%dma_wait3A_326 : memref<1000000x64xf32, #tpu.memory_space<hbm>>) dst(%dma_wait3A_320 : memref<50x64xf32, #tpu.memory_space<vmem>>)
      %add3A_327 = arith.addi %mul3A_2, %add3A_316 : i32
      "tpu.region"() ({
        %run_scoped3A = tpu.sem_alloc : memref<!tpu.dma_semaphore, #tpu.memory_space<semaphore_mem>>
        %dma_start3A_391 = arith.constant 250 : i32
        %dma_start3A_392 = arith.constant 0 : i32
        %dma_start3A_393 = tpu.memref_slice %arg6[%dma_start3A_391, %dma_start3A_392] : memref<400x64xf32, #tpu.memory_space<vmem>> -> memref<50x64xf32, #tpu.memory_space<vmem>>
        %dma_start3A_394 = arith.constant 0 : i32
        %dma_start3A_395 = arith.constant 0 : i32
        %dma_start3A_396 = tpu.memref_slice %arg4[%add3A_327, %dma_start3A_394, %dma_start3A_395] : memref<4096x50x64xf32, #tpu.memory_space<hbm>> -> memref<1x50x64xf32, #tpu.memory_space<hbm>>
        %dma_start3A_397 = tpu.memref_squeeze %dma_start3A_396 : memref<1x50x64xf32, #tpu.memory_space<hbm>> -> memref<50x64xf32, #tpu.memory_space<hbm>>
        %dma_start3A_398 = arith.constant 0 : i32
        %dma_start3A_399 = arith.constant 0 : i32
        %dma_start3A_400 = tpu.memref_slice %arg4[%add3A_327, %dma_start3A_398, %dma_start3A_399] : memref<4096x50x64xf32, #tpu.memory_space<hbm>> -> memref<1x50x64xf32, #tpu.memory_space<hbm>>
        %dma_start3A_401 = tpu.memref_squeeze %dma_start3A_400 : memref<1x50x64xf32, #tpu.memory_space<hbm>> -> memref<50x64xf32, #tpu.memory_space<hbm>>
        %dma_start3A_402 = arith.constant 250 : i32
        %dma_start3A_403 = arith.constant 0 : i32
        %dma_start3A_404 = tpu.memref_slice %arg6[%dma_start3A_402, %dma_start3A_403] : memref<400x64xf32, #tpu.memory_space<vmem>> -> memref<50x64xf32, #tpu.memory_space<vmem>>
        tpu.enqueue_dma source(%dma_start3A_404 : memref<50x64xf32, #tpu.memory_space<vmem>>) target(%dma_start3A_401 : memref<50x64xf32, #tpu.memory_space<hbm>>) target_semaphore(%run_scoped3A : memref<!tpu.dma_semaphore, #tpu.memory_space<semaphore_mem>>)
        %dma_wait3A_405 = arith.constant 250 : i32
        %dma_wait3A_406 = arith.constant 0 : i32
        %dma_wait3A_407 = tpu.memref_slice %arg6[%dma_wait3A_405, %dma_wait3A_406] : memref<400x64xf32, #tpu.memory_space<vmem>> -> memref<50x64xf32, #tpu.memory_space<vmem>>
        %dma_wait3A_408 = arith.constant 0 : i32
        %dma_wait3A_409 = arith.constant 0 : i32
        %dma_wait3A_410 = tpu.memref_slice %arg4[%add3A_327, %dma_wait3A_408, %dma_wait3A_409] : memref<4096x50x64xf32, #tpu.memory_space<hbm>> -> memref<1x50x64xf32, #tpu.memory_space<hbm>>
        %dma_wait3A_411 = tpu.memref_squeeze %dma_wait3A_410 : memref<1x50x64xf32, #tpu.memory_space<hbm>> -> memref<50x64xf32, #tpu.memory_space<hbm>>
        %dma_wait3A_412 = arith.constant 0 : i32
        %dma_wait3A_413 = arith.constant 0 : i32
        %dma_wait3A_414 = tpu.memref_slice %arg4[%add3A_327, %dma_wait3A_412, %dma_wait3A_413] : memref<4096x50x64xf32, #tpu.memory_space<hbm>> -> memref<1x50x64xf32, #tpu.memory_space<hbm>>
        %dma_wait3A_415 = tpu.memref_squeeze %dma_wait3A_414 : memref<1x50x64xf32, #tpu.memory_space<hbm>> -> memref<50x64xf32, #tpu.memory_space<hbm>>
        %dma_wait3A_416 = arith.constant 250 : i32
        %dma_wait3A_417 = arith.constant 0 : i32
        %dma_wait3A_418 = tpu.memref_slice %arg6[%dma_wait3A_416, %dma_wait3A_417] : memref<400x64xf32, #tpu.memory_space<vmem>> -> memref<50x64xf32, #tpu.memory_space<vmem>>
        tpu.wait_dma2 semaphore(%run_scoped3A : memref<!tpu.dma_semaphore, #tpu.memory_space<semaphore_mem>>) src(%dma_wait3A_418 : memref<50x64xf32, #tpu.memory_space<vmem>>) dst(%dma_wait3A_415 : memref<50x64xf32, #tpu.memory_space<hbm>>)
        tpu.yield
      }) : () -> ()
      %add3A_328 = arith.constant 8 : i32
      %add3A_329 = arith.addi %add3A_316, %add3A_328 : i32
      %dma_start3A_330 = arith.constant 250 : i32
      %dma_start3A_331 = arith.constant 0 : i32
      %dma_start3A_332 = tpu.memref_slice %arg6[%dma_start3A_330, %dma_start3A_331] : memref<400x64xf32, #tpu.memory_space<vmem>> -> memref<50x64xf32, #tpu.memory_space<vmem>>
      %dma_start3A_333 = arith.constant 0 : i32
      %dma_start3A_334 = tpu.memref_slice %arg5[%add3A_329, %dma_start3A_333] : memref<128x50xi32, #tpu.memory_space<vmem>> -> memref<1x50xi32, #tpu.memory_space<vmem>>
      %dma_start3A_335 = tpu.memref_squeeze %dma_start3A_334 : memref<1x50xi32, #tpu.memory_space<vmem>> -> memref<50xi32, #tpu.memory_space<vmem>>
      %dma_start3A_336 = arith.constant 0 : i32
      %dma_start3A_337 = arith.constant 0 : i32
      %dma_start3A_338 = tpu.memref_slice %arg3[%dma_start3A_336, %dma_start3A_337] : memref<1000000x64xf32, #tpu.memory_space<hbm>> -> memref<1000000x64xf32, #tpu.memory_space<hbm>>
      tpu.enqueue_indirect_dma source(%dma_start3A_338 : memref<1000000x64xf32, #tpu.memory_space<hbm>>) target(%dma_start3A_332 : memref<50x64xf32, #tpu.memory_space<vmem>>) offsets(%dma_start3A_335 : memref<50xi32, #tpu.memory_space<vmem>>) semaphore(%arg12 : memref<!tpu.dma_semaphore, #tpu.memory_space<semaphore_mem>>)
      %mul3A_339 = arith.constant 8 : i32
      %mul3A_340 = arith.muli %scan3A_182, %mul3A_339 : i32
      %add3A_341 = arith.constant 6 : i32
      %add3A_342 = arith.addi %mul3A_340, %add3A_341 : i32
      %dma_wait3A_343 = arith.constant 6 : i32
      %dma_wait3A_344 = arith.constant 300 : i32
      %dma_wait3A_345 = arith.constant 0 : i32
      %dma_wait3A_346 = tpu.memref_slice %arg6[%dma_wait3A_344, %dma_wait3A_345] : memref<400x64xf32, #tpu.memory_space<vmem>> -> memref<50x64xf32, #tpu.memory_space<vmem>>
      %dma_wait3A_347 = arith.constant 0 : i32
      %dma_wait3A_348 = tpu.memref_slice %arg5[%dma_wait3A_343, %dma_wait3A_347] : memref<128x50xi32, #tpu.memory_space<vmem>> -> memref<1x50xi32, #tpu.memory_space<vmem>>
      %dma_wait3A_349 = tpu.memref_squeeze %dma_wait3A_348 : memref<1x50xi32, #tpu.memory_space<vmem>> -> memref<50xi32, #tpu.memory_space<vmem>>
      %dma_wait3A_350 = arith.constant 0 : i32
      %dma_wait3A_351 = arith.constant 0 : i32
      %dma_wait3A_352 = tpu.memref_slice %arg3[%dma_wait3A_350, %dma_wait3A_351] : memref<1000000x64xf32, #tpu.memory_space<hbm>> -> memref<1000000x64xf32, #tpu.memory_space<hbm>>
      tpu.wait_indirect_dma semaphore(%arg13 : memref<!tpu.dma_semaphore, #tpu.memory_space<semaphore_mem>>) src(%dma_wait3A_352 : memref<1000000x64xf32, #tpu.memory_space<hbm>>) dst(%dma_wait3A_346 : memref<50x64xf32, #tpu.memory_space<vmem>>)
      %add3A_353 = arith.addi %mul3A_2, %add3A_342 : i32
      "tpu.region"() ({
        %run_scoped3A = tpu.sem_alloc : memref<!tpu.dma_semaphore, #tpu.memory_space<semaphore_mem>>
        %dma_start3A_391 = arith.constant 300 : i32
        %dma_start3A_392 = arith.constant 0 : i32
        %dma_start3A_393 = tpu.memref_slice %arg6[%dma_start3A_391, %dma_start3A_392] : memref<400x64xf32, #tpu.memory_space<vmem>> -> memref<50x64xf32, #tpu.memory_space<vmem>>
        %dma_start3A_394 = arith.constant 0 : i32
        %dma_start3A_395 = arith.constant 0 : i32
        %dma_start3A_396 = tpu.memref_slice %arg4[%add3A_353, %dma_start3A_394, %dma_start3A_395] : memref<4096x50x64xf32, #tpu.memory_space<hbm>> -> memref<1x50x64xf32, #tpu.memory_space<hbm>>
        %dma_start3A_397 = tpu.memref_squeeze %dma_start3A_396 : memref<1x50x64xf32, #tpu.memory_space<hbm>> -> memref<50x64xf32, #tpu.memory_space<hbm>>
        %dma_start3A_398 = arith.constant 0 : i32
        %dma_start3A_399 = arith.constant 0 : i32
        %dma_start3A_400 = tpu.memref_slice %arg4[%add3A_353, %dma_start3A_398, %dma_start3A_399] : memref<4096x50x64xf32, #tpu.memory_space<hbm>> -> memref<1x50x64xf32, #tpu.memory_space<hbm>>
        %dma_start3A_401 = tpu.memref_squeeze %dma_start3A_400 : memref<1x50x64xf32, #tpu.memory_space<hbm>> -> memref<50x64xf32, #tpu.memory_space<hbm>>
        %dma_start3A_402 = arith.constant 300 : i32
        %dma_start3A_403 = arith.constant 0 : i32
        %dma_start3A_404 = tpu.memref_slice %arg6[%dma_start3A_402, %dma_start3A_403] : memref<400x64xf32, #tpu.memory_space<vmem>> -> memref<50x64xf32, #tpu.memory_space<vmem>>
        tpu.enqueue_dma source(%dma_start3A_404 : memref<50x64xf32, #tpu.memory_space<vmem>>) target(%dma_start3A_401 : memref<50x64xf32, #tpu.memory_space<hbm>>) target_semaphore(%run_scoped3A : memref<!tpu.dma_semaphore, #tpu.memory_space<semaphore_mem>>)
        %dma_wait3A_405 = arith.constant 300 : i32
        %dma_wait3A_406 = arith.constant 0 : i32
        %dma_wait3A_407 = tpu.memref_slice %arg6[%dma_wait3A_405, %dma_wait3A_406] : memref<400x64xf32, #tpu.memory_space<vmem>> -> memref<50x64xf32, #tpu.memory_space<vmem>>
        %dma_wait3A_408 = arith.constant 0 : i32
        %dma_wait3A_409 = arith.constant 0 : i32
        %dma_wait3A_410 = tpu.memref_slice %arg4[%add3A_353, %dma_wait3A_408, %dma_wait3A_409] : memref<4096x50x64xf32, #tpu.memory_space<hbm>> -> memref<1x50x64xf32, #tpu.memory_space<hbm>>
        %dma_wait3A_411 = tpu.memref_squeeze %dma_wait3A_410 : memref<1x50x64xf32, #tpu.memory_space<hbm>> -> memref<50x64xf32, #tpu.memory_space<hbm>>
        %dma_wait3A_412 = arith.constant 0 : i32
        %dma_wait3A_413 = arith.constant 0 : i32
        %dma_wait3A_414 = tpu.memref_slice %arg4[%add3A_353, %dma_wait3A_412, %dma_wait3A_413] : memref<4096x50x64xf32, #tpu.memory_space<hbm>> -> memref<1x50x64xf32, #tpu.memory_space<hbm>>
        %dma_wait3A_415 = tpu.memref_squeeze %dma_wait3A_414 : memref<1x50x64xf32, #tpu.memory_space<hbm>> -> memref<50x64xf32, #tpu.memory_space<hbm>>
        %dma_wait3A_416 = arith.constant 300 : i32
        %dma_wait3A_417 = arith.constant 0 : i32
        %dma_wait3A_418 = tpu.memref_slice %arg6[%dma_wait3A_416, %dma_wait3A_417] : memref<400x64xf32, #tpu.memory_space<vmem>> -> memref<50x64xf32, #tpu.memory_space<vmem>>
        tpu.wait_dma2 semaphore(%run_scoped3A : memref<!tpu.dma_semaphore, #tpu.memory_space<semaphore_mem>>) src(%dma_wait3A_418 : memref<50x64xf32, #tpu.memory_space<vmem>>) dst(%dma_wait3A_415 : memref<50x64xf32, #tpu.memory_space<hbm>>)
        tpu.yield
      }) : () -> ()
      %add3A_354 = arith.constant 8 : i32
      %add3A_355 = arith.addi %add3A_342, %add3A_354 : i32
      %dma_start3A_356 = arith.constant 300 : i32
      %dma_start3A_357 = arith.constant 0 : i32
      %dma_start3A_358 = tpu.memref_slice %arg6[%dma_start3A_356, %dma_start3A_357] : memref<400x64xf32, #tpu.memory_space<vmem>> -> memref<50x64xf32, #tpu.memory_space<vmem>>
      %dma_start3A_359 = arith.constant 0 : i32
      %dma_start3A_360 = tpu.memref_slice %arg5[%add3A_355, %dma_start3A_359] : memref<128x50xi32, #tpu.memory_space<vmem>> -> memref<1x50xi32, #tpu.memory_space<vmem>>
      %dma_start3A_361 = tpu.memref_squeeze %dma_start3A_360 : memref<1x50xi32, #tpu.memory_space<vmem>> -> memref<50xi32, #tpu.memory_space<vmem>>
      %dma_start3A_362 = arith.constant 0 : i32
      %dma_start3A_363 = arith.constant 0 : i32
      %dma_start3A_364 = tpu.memref_slice %arg3[%dma_start3A_362, %dma_start3A_363] : memref<1000000x64xf32, #tpu.memory_space<hbm>> -> memref<1000000x64xf32, #tpu.memory_space<hbm>>
      tpu.enqueue_indirect_dma source(%dma_start3A_364 : memref<1000000x64xf32, #tpu.memory_space<hbm>>) target(%dma_start3A_358 : memref<50x64xf32, #tpu.memory_space<vmem>>) offsets(%dma_start3A_361 : memref<50xi32, #tpu.memory_space<vmem>>) semaphore(%arg13 : memref<!tpu.dma_semaphore, #tpu.memory_space<semaphore_mem>>)
      %mul3A_365 = arith.constant 8 : i32
      %mul3A_366 = arith.muli %scan3A_182, %mul3A_365 : i32
      %add3A_367 = arith.constant 7 : i32
      %add3A_368 = arith.addi %mul3A_366, %add3A_367 : i32
      %dma_wait3A_369 = arith.constant 7 : i32
      %dma_wait3A_370 = arith.constant 350 : i32
      %dma_wait3A_371 = arith.constant 0 : i32
      %dma_wait3A_372 = tpu.memref_slice %arg6[%dma_wait3A_370, %dma_wait3A_371] : memref<400x64xf32, #tpu.memory_space<vmem>> -> memref<50x64xf32, #tpu.memory_space<vmem>>
      %dma_wait3A_373 = arith.constant 0 : i32
      %dma_wait3A_374 = tpu.memref_slice %arg5[%dma_wait3A_369, %dma_wait3A_373] : memref<128x50xi32, #tpu.memory_space<vmem>> -> memref<1x50xi32, #tpu.memory_space<vmem>>
      %dma_wait3A_375 = tpu.memref_squeeze %dma_wait3A_374 : memref<1x50xi32, #tpu.memory_space<vmem>> -> memref<50xi32, #tpu.memory_space<vmem>>
      %dma_wait3A_376 = arith.constant 0 : i32
      %dma_wait3A_377 = arith.constant 0 : i32
      %dma_wait3A_378 = tpu.memref_slice %arg3[%dma_wait3A_376, %dma_wait3A_377] : memref<1000000x64xf32, #tpu.memory_space<hbm>> -> memref<1000000x64xf32, #tpu.memory_space<hbm>>
      tpu.wait_indirect_dma semaphore(%arg14 : memref<!tpu.dma_semaphore, #tpu.memory_space<semaphore_mem>>) src(%dma_wait3A_378 : memref<1000000x64xf32, #tpu.memory_space<hbm>>) dst(%dma_wait3A_372 : memref<50x64xf32, #tpu.memory_space<vmem>>)
      %add3A_379 = arith.addi %mul3A_2, %add3A_368 : i32
      "tpu.region"() ({
        %run_scoped3A = tpu.sem_alloc : memref<!tpu.dma_semaphore, #tpu.memory_space<semaphore_mem>>
        %dma_start3A_391 = arith.constant 350 : i32
        %dma_start3A_392 = arith.constant 0 : i32
        %dma_start3A_393 = tpu.memref_slice %arg6[%dma_start3A_391, %dma_start3A_392] : memref<400x64xf32, #tpu.memory_space<vmem>> -> memref<50x64xf32, #tpu.memory_space<vmem>>
        %dma_start3A_394 = arith.constant 0 : i32
        %dma_start3A_395 = arith.constant 0 : i32
        %dma_start3A_396 = tpu.memref_slice %arg4[%add3A_379, %dma_start3A_394, %dma_start3A_395] : memref<4096x50x64xf32, #tpu.memory_space<hbm>> -> memref<1x50x64xf32, #tpu.memory_space<hbm>>
        %dma_start3A_397 = tpu.memref_squeeze %dma_start3A_396 : memref<1x50x64xf32, #tpu.memory_space<hbm>> -> memref<50x64xf32, #tpu.memory_space<hbm>>
        %dma_start3A_398 = arith.constant 0 : i32
        %dma_start3A_399 = arith.constant 0 : i32
        %dma_start3A_400 = tpu.memref_slice %arg4[%add3A_379, %dma_start3A_398, %dma_start3A_399] : memref<4096x50x64xf32, #tpu.memory_space<hbm>> -> memref<1x50x64xf32, #tpu.memory_space<hbm>>
        %dma_start3A_401 = tpu.memref_squeeze %dma_start3A_400 : memref<1x50x64xf32, #tpu.memory_space<hbm>> -> memref<50x64xf32, #tpu.memory_space<hbm>>
        %dma_start3A_402 = arith.constant 350 : i32
        %dma_start3A_403 = arith.constant 0 : i32
        %dma_start3A_404 = tpu.memref_slice %arg6[%dma_start3A_402, %dma_start3A_403] : memref<400x64xf32, #tpu.memory_space<vmem>> -> memref<50x64xf32, #tpu.memory_space<vmem>>
        tpu.enqueue_dma source(%dma_start3A_404 : memref<50x64xf32, #tpu.memory_space<vmem>>) target(%dma_start3A_401 : memref<50x64xf32, #tpu.memory_space<hbm>>) target_semaphore(%run_scoped3A : memref<!tpu.dma_semaphore, #tpu.memory_space<semaphore_mem>>)
        %dma_wait3A_405 = arith.constant 350 : i32
        %dma_wait3A_406 = arith.constant 0 : i32
        %dma_wait3A_407 = tpu.memref_slice %arg6[%dma_wait3A_405, %dma_wait3A_406] : memref<400x64xf32, #tpu.memory_space<vmem>> -> memref<50x64xf32, #tpu.memory_space<vmem>>
        %dma_wait3A_408 = arith.constant 0 : i32
        %dma_wait3A_409 = arith.constant 0 : i32
        %dma_wait3A_410 = tpu.memref_slice %arg4[%add3A_379, %dma_wait3A_408, %dma_wait3A_409] : memref<4096x50x64xf32, #tpu.memory_space<hbm>> -> memref<1x50x64xf32, #tpu.memory_space<hbm>>
        %dma_wait3A_411 = tpu.memref_squeeze %dma_wait3A_410 : memref<1x50x64xf32, #tpu.memory_space<hbm>> -> memref<50x64xf32, #tpu.memory_space<hbm>>
        %dma_wait3A_412 = arith.constant 0 : i32
        %dma_wait3A_413 = arith.constant 0 : i32
        %dma_wait3A_414 = tpu.memref_slice %arg4[%add3A_379, %dma_wait3A_412, %dma_wait3A_413] : memref<4096x50x64xf32, #tpu.memory_space<hbm>> -> memref<1x50x64xf32, #tpu.memory_space<hbm>>
        %dma_wait3A_415 = tpu.memref_squeeze %dma_wait3A_414 : memref<1x50x64xf32, #tpu.memory_space<hbm>> -> memref<50x64xf32, #tpu.memory_space<hbm>>
        %dma_wait3A_416 = arith.constant 350 : i32
        %dma_wait3A_417 = arith.constant 0 : i32
        %dma_wait3A_418 = tpu.memref_slice %arg6[%dma_wait3A_416, %dma_wait3A_417] : memref<400x64xf32, #tpu.memory_space<vmem>> -> memref<50x64xf32, #tpu.memory_space<vmem>>
        tpu.wait_dma2 semaphore(%run_scoped3A : memref<!tpu.dma_semaphore, #tpu.memory_space<semaphore_mem>>) src(%dma_wait3A_418 : memref<50x64xf32, #tpu.memory_space<vmem>>) dst(%dma_wait3A_415 : memref<50x64xf32, #tpu.memory_space<hbm>>)
        tpu.yield
      }) : () -> ()
      %add3A_380 = arith.constant 8 : i32
      %add3A_381 = arith.addi %add3A_368, %add3A_380 : i32
      %dma_start3A_382 = arith.constant 350 : i32
      %dma_start3A_383 = arith.constant 0 : i32
      %dma_start3A_384 = tpu.memref_slice %arg6[%dma_start3A_382, %dma_start3A_383] : memref<400x64xf32, #tpu.memory_space<vmem>> -> memref<50x64xf32, #tpu.memory_space<vmem>>
      %dma_start3A_385 = arith.constant 0 : i32
      %dma_start3A_386 = tpu.memref_slice %arg5[%add3A_381, %dma_start3A_385] : memref<128x50xi32, #tpu.memory_space<vmem>> -> memref<1x50xi32, #tpu.memory_space<vmem>>
      %dma_start3A_387 = tpu.memref_squeeze %dma_start3A_386 : memref<1x50xi32, #tpu.memory_space<vmem>> -> memref<50xi32, #tpu.memory_space<vmem>>
      %dma_start3A_388 = arith.constant 0 : i32
      %dma_start3A_389 = arith.constant 0 : i32
      %dma_start3A_390 = tpu.memref_slice %arg3[%dma_start3A_388, %dma_start3A_389] : memref<1000000x64xf32, #tpu.memory_space<hbm>> -> memref<1000000x64xf32, #tpu.memory_space<hbm>>
      tpu.enqueue_indirect_dma source(%dma_start3A_390 : memref<1000000x64xf32, #tpu.memory_space<hbm>>) target(%dma_start3A_384 : memref<50x64xf32, #tpu.memory_space<vmem>>) offsets(%dma_start3A_387 : memref<50xi32, #tpu.memory_space<vmem>>) semaphore(%arg14 : memref<!tpu.dma_semaphore, #tpu.memory_space<semaphore_mem>>)
    }
    %scan3A_86 = arith.constant 15 : i32
    %dma_wait3A = arith.constant 0 : i32
    %dma_wait3A_87 = arith.constant 0 : i32
    %dma_wait3A_88 = arith.constant 0 : i32
    %dma_wait3A_89 = tpu.memref_slice %arg6[%dma_wait3A_87, %dma_wait3A_88] : memref<400x64xf32, #tpu.memory_space<vmem>> -> memref<50x64xf32, #tpu.memory_space<vmem>>
    %dma_wait3A_90 = arith.constant 0 : i32
    %dma_wait3A_91 = tpu.memref_slice %arg5[%dma_wait3A, %dma_wait3A_90] : memref<128x50xi32, #tpu.memory_space<vmem>> -> memref<1x50xi32, #tpu.memory_space<vmem>>
    %dma_wait3A_92 = tpu.memref_squeeze %dma_wait3A_91 : memref<1x50xi32, #tpu.memory_space<vmem>> -> memref<50xi32, #tpu.memory_space<vmem>>
    %dma_wait3A_93 = arith.constant 0 : i32
    %dma_wait3A_94 = arith.constant 0 : i32
    %dma_wait3A_95 = tpu.memref_slice %arg3[%dma_wait3A_93, %dma_wait3A_94] : memref<1000000x64xf32, #tpu.memory_space<hbm>> -> memref<1000000x64xf32, #tpu.memory_space<hbm>>
    tpu.wait_indirect_dma semaphore(%arg7 : memref<!tpu.dma_semaphore, #tpu.memory_space<semaphore_mem>>) src(%dma_wait3A_95 : memref<1000000x64xf32, #tpu.memory_space<hbm>>) dst(%dma_wait3A_89 : memref<50x64xf32, #tpu.memory_space<vmem>>)
    %add3A_96 = arith.constant 120 : i32
    %add3A_97 = arith.addi %mul3A_2, %add3A_96 : i32
    "tpu.region"() ({
      %run_scoped3A = tpu.sem_alloc : memref<!tpu.dma_semaphore, #tpu.memory_space<semaphore_mem>>
      %dma_start3A_182 = arith.constant 0 : i32
      %dma_start3A_183 = arith.constant 0 : i32
      %dma_start3A_184 = tpu.memref_slice %arg6[%dma_start3A_182, %dma_start3A_183] : memref<400x64xf32, #tpu.memory_space<vmem>> -> memref<50x64xf32, #tpu.memory_space<vmem>>
      %dma_start3A_185 = arith.constant 0 : i32
      %dma_start3A_186 = arith.constant 0 : i32
      %dma_start3A_187 = tpu.memref_slice %arg4[%add3A_97, %dma_start3A_185, %dma_start3A_186] : memref<4096x50x64xf32, #tpu.memory_space<hbm>> -> memref<1x50x64xf32, #tpu.memory_space<hbm>>
      %dma_start3A_188 = tpu.memref_squeeze %dma_start3A_187 : memref<1x50x64xf32, #tpu.memory_space<hbm>> -> memref<50x64xf32, #tpu.memory_space<hbm>>
      %dma_start3A_189 = arith.constant 0 : i32
      %dma_start3A_190 = arith.constant 0 : i32
      %dma_start3A_191 = tpu.memref_slice %arg4[%add3A_97, %dma_start3A_189, %dma_start3A_190] : memref<4096x50x64xf32, #tpu.memory_space<hbm>> -> memref<1x50x64xf32, #tpu.memory_space<hbm>>
      %dma_start3A_192 = tpu.memref_squeeze %dma_start3A_191 : memref<1x50x64xf32, #tpu.memory_space<hbm>> -> memref<50x64xf32, #tpu.memory_space<hbm>>
      %dma_start3A_193 = arith.constant 0 : i32
      %dma_start3A_194 = arith.constant 0 : i32
      %dma_start3A_195 = tpu.memref_slice %arg6[%dma_start3A_193, %dma_start3A_194] : memref<400x64xf32, #tpu.memory_space<vmem>> -> memref<50x64xf32, #tpu.memory_space<vmem>>
      tpu.enqueue_dma source(%dma_start3A_195 : memref<50x64xf32, #tpu.memory_space<vmem>>) target(%dma_start3A_192 : memref<50x64xf32, #tpu.memory_space<hbm>>) target_semaphore(%run_scoped3A : memref<!tpu.dma_semaphore, #tpu.memory_space<semaphore_mem>>)
      %dma_wait3A_196 = arith.constant 0 : i32
      %dma_wait3A_197 = arith.constant 0 : i32
      %dma_wait3A_198 = tpu.memref_slice %arg6[%dma_wait3A_196, %dma_wait3A_197] : memref<400x64xf32, #tpu.memory_space<vmem>> -> memref<50x64xf32, #tpu.memory_space<vmem>>
      %dma_wait3A_199 = arith.constant 0 : i32
      %dma_wait3A_200 = arith.constant 0 : i32
      %dma_wait3A_201 = tpu.memref_slice %arg4[%add3A_97, %dma_wait3A_199, %dma_wait3A_200] : memref<4096x50x64xf32, #tpu.memory_space<hbm>> -> memref<1x50x64xf32, #tpu.memory_space<hbm>>
      %dma_wait3A_202 = tpu.memref_squeeze %dma_wait3A_201 : memref<1x50x64xf32, #tpu.memory_space<hbm>> -> memref<50x64xf32, #tpu.memory_space<hbm>>
      %dma_wait3A_203 = arith.constant 0 : i32
      %dma_wait3A_204 = arith.constant 0 : i32
      %dma_wait3A_205 = tpu.memref_slice %arg4[%add3A_97, %dma_wait3A_203, %dma_wait3A_204] : memref<4096x50x64xf32, #tpu.memory_space<hbm>> -> memref<1x50x64xf32, #tpu.memory_space<hbm>>
      %dma_wait3A_206 = tpu.memref_squeeze %dma_wait3A_205 : memref<1x50x64xf32, #tpu.memory_space<hbm>> -> memref<50x64xf32, #tpu.memory_space<hbm>>
      %dma_wait3A_207 = arith.constant 0 : i32
      %dma_wait3A_208 = arith.constant 0 : i32
      %dma_wait3A_209 = tpu.memref_slice %arg6[%dma_wait3A_207, %dma_wait3A_208] : memref<400x64xf32, #tpu.memory_space<vmem>> -> memref<50x64xf32, #tpu.memory_space<vmem>>
      tpu.wait_dma2 semaphore(%run_scoped3A : memref<!tpu.dma_semaphore, #tpu.memory_space<semaphore_mem>>) src(%dma_wait3A_209 : memref<50x64xf32, #tpu.memory_space<vmem>>) dst(%dma_wait3A_206 : memref<50x64xf32, #tpu.memory_space<hbm>>)
      tpu.yield
    }) : () -> ()
    %dma_wait3A_98 = arith.constant 1 : i32
    %dma_wait3A_99 = arith.constant 50 : i32
    %dma_wait3A_100 = arith.constant 0 : i32
    %dma_wait3A_101 = tpu.memref_slice %arg6[%dma_wait3A_99, %dma_wait3A_100] : memref<400x64xf32, #tpu.memory_space<vmem>> -> memref<50x64xf32, #tpu.memory_space<vmem>>
    %dma_wait3A_102 = arith.constant 0 : i32
    %dma_wait3A_103 = tpu.memref_slice %arg5[%dma_wait3A_98, %dma_wait3A_102] : memref<128x50xi32, #tpu.memory_space<vmem>> -> memref<1x50xi32, #tpu.memory_space<vmem>>
    %dma_wait3A_104 = tpu.memref_squeeze %dma_wait3A_103 : memref<1x50xi32, #tpu.memory_space<vmem>> -> memref<50xi32, #tpu.memory_space<vmem>>
    %dma_wait3A_105 = arith.constant 0 : i32
    %dma_wait3A_106 = arith.constant 0 : i32
    %dma_wait3A_107 = tpu.memref_slice %arg3[%dma_wait3A_105, %dma_wait3A_106] : memref<1000000x64xf32, #tpu.memory_space<hbm>> -> memref<1000000x64xf32, #tpu.memory_space<hbm>>
    tpu.wait_indirect_dma semaphore(%arg8 : memref<!tpu.dma_semaphore, #tpu.memory_space<semaphore_mem>>) src(%dma_wait3A_107 : memref<1000000x64xf32, #tpu.memory_space<hbm>>) dst(%dma_wait3A_101 : memref<50x64xf32, #tpu.memory_space<vmem>>)
    %add3A_108 = arith.constant 121 : i32
    %add3A_109 = arith.addi %mul3A_2, %add3A_108 : i32
    "tpu.region"() ({
      %run_scoped3A = tpu.sem_alloc : memref<!tpu.dma_semaphore, #tpu.memory_space<semaphore_mem>>
      %dma_start3A_182 = arith.constant 50 : i32
      %dma_start3A_183 = arith.constant 0 : i32
      %dma_start3A_184 = tpu.memref_slice %arg6[%dma_start3A_182, %dma_start3A_183] : memref<400x64xf32, #tpu.memory_space<vmem>> -> memref<50x64xf32, #tpu.memory_space<vmem>>
      %dma_start3A_185 = arith.constant 0 : i32
      %dma_start3A_186 = arith.constant 0 : i32
      %dma_start3A_187 = tpu.memref_slice %arg4[%add3A_109, %dma_start3A_185, %dma_start3A_186] : memref<4096x50x64xf32, #tpu.memory_space<hbm>> -> memref<1x50x64xf32, #tpu.memory_space<hbm>>
      %dma_start3A_188 = tpu.memref_squeeze %dma_start3A_187 : memref<1x50x64xf32, #tpu.memory_space<hbm>> -> memref<50x64xf32, #tpu.memory_space<hbm>>
      %dma_start3A_189 = arith.constant 0 : i32
      %dma_start3A_190 = arith.constant 0 : i32
      %dma_start3A_191 = tpu.memref_slice %arg4[%add3A_109, %dma_start3A_189, %dma_start3A_190] : memref<4096x50x64xf32, #tpu.memory_space<hbm>> -> memref<1x50x64xf32, #tpu.memory_space<hbm>>
      %dma_start3A_192 = tpu.memref_squeeze %dma_start3A_191 : memref<1x50x64xf32, #tpu.memory_space<hbm>> -> memref<50x64xf32, #tpu.memory_space<hbm>>
      %dma_start3A_193 = arith.constant 50 : i32
      %dma_start3A_194 = arith.constant 0 : i32
      %dma_start3A_195 = tpu.memref_slice %arg6[%dma_start3A_193, %dma_start3A_194] : memref<400x64xf32, #tpu.memory_space<vmem>> -> memref<50x64xf32, #tpu.memory_space<vmem>>
      tpu.enqueue_dma source(%dma_start3A_195 : memref<50x64xf32, #tpu.memory_space<vmem>>) target(%dma_start3A_192 : memref<50x64xf32, #tpu.memory_space<hbm>>) target_semaphore(%run_scoped3A : memref<!tpu.dma_semaphore, #tpu.memory_space<semaphore_mem>>)
      %dma_wait3A_196 = arith.constant 50 : i32
      %dma_wait3A_197 = arith.constant 0 : i32
      %dma_wait3A_198 = tpu.memref_slice %arg6[%dma_wait3A_196, %dma_wait3A_197] : memref<400x64xf32, #tpu.memory_space<vmem>> -> memref<50x64xf32, #tpu.memory_space<vmem>>
      %dma_wait3A_199 = arith.constant 0 : i32
      %dma_wait3A_200 = arith.constant 0 : i32
      %dma_wait3A_201 = tpu.memref_slice %arg4[%add3A_109, %dma_wait3A_199, %dma_wait3A_200] : memref<4096x50x64xf32, #tpu.memory_space<hbm>> -> memref<1x50x64xf32, #tpu.memory_space<hbm>>
      %dma_wait3A_202 = tpu.memref_squeeze %dma_wait3A_201 : memref<1x50x64xf32, #tpu.memory_space<hbm>> -> memref<50x64xf32, #tpu.memory_space<hbm>>
      %dma_wait3A_203 = arith.constant 0 : i32
      %dma_wait3A_204 = arith.constant 0 : i32
      %dma_wait3A_205 = tpu.memref_slice %arg4[%add3A_109, %dma_wait3A_203, %dma_wait3A_204] : memref<4096x50x64xf32, #tpu.memory_space<hbm>> -> memref<1x50x64xf32, #tpu.memory_space<hbm>>
      %dma_wait3A_206 = tpu.memref_squeeze %dma_wait3A_205 : memref<1x50x64xf32, #tpu.memory_space<hbm>> -> memref<50x64xf32, #tpu.memory_space<hbm>>
      %dma_wait3A_207 = arith.constant 50 : i32
      %dma_wait3A_208 = arith.constant 0 : i32
      %dma_wait3A_209 = tpu.memref_slice %arg6[%dma_wait3A_207, %dma_wait3A_208] : memref<400x64xf32, #tpu.memory_space<vmem>> -> memref<50x64xf32, #tpu.memory_space<vmem>>
      tpu.wait_dma2 semaphore(%run_scoped3A : memref<!tpu.dma_semaphore, #tpu.memory_space<semaphore_mem>>) src(%dma_wait3A_209 : memref<50x64xf32, #tpu.memory_space<vmem>>) dst(%dma_wait3A_206 : memref<50x64xf32, #tpu.memory_space<hbm>>)
      tpu.yield
    }) : () -> ()
    %dma_wait3A_110 = arith.constant 2 : i32
    %dma_wait3A_111 = arith.constant 100 : i32
    %dma_wait3A_112 = arith.constant 0 : i32
    %dma_wait3A_113 = tpu.memref_slice %arg6[%dma_wait3A_111, %dma_wait3A_112] : memref<400x64xf32, #tpu.memory_space<vmem>> -> memref<50x64xf32, #tpu.memory_space<vmem>>
    %dma_wait3A_114 = arith.constant 0 : i32
    %dma_wait3A_115 = tpu.memref_slice %arg5[%dma_wait3A_110, %dma_wait3A_114] : memref<128x50xi32, #tpu.memory_space<vmem>> -> memref<1x50xi32, #tpu.memory_space<vmem>>
    %dma_wait3A_116 = tpu.memref_squeeze %dma_wait3A_115 : memref<1x50xi32, #tpu.memory_space<vmem>> -> memref<50xi32, #tpu.memory_space<vmem>>
    %dma_wait3A_117 = arith.constant 0 : i32
    %dma_wait3A_118 = arith.constant 0 : i32
    %dma_wait3A_119 = tpu.memref_slice %arg3[%dma_wait3A_117, %dma_wait3A_118] : memref<1000000x64xf32, #tpu.memory_space<hbm>> -> memref<1000000x64xf32, #tpu.memory_space<hbm>>
    tpu.wait_indirect_dma semaphore(%arg9 : memref<!tpu.dma_semaphore, #tpu.memory_space<semaphore_mem>>) src(%dma_wait3A_119 : memref<1000000x64xf32, #tpu.memory_space<hbm>>) dst(%dma_wait3A_113 : memref<50x64xf32, #tpu.memory_space<vmem>>)
    %add3A_120 = arith.constant 122 : i32
    %add3A_121 = arith.addi %mul3A_2, %add3A_120 : i32
    "tpu.region"() ({
      %run_scoped3A = tpu.sem_alloc : memref<!tpu.dma_semaphore, #tpu.memory_space<semaphore_mem>>
      %dma_start3A_182 = arith.constant 100 : i32
      %dma_start3A_183 = arith.constant 0 : i32
      %dma_start3A_184 = tpu.memref_slice %arg6[%dma_start3A_182, %dma_start3A_183] : memref<400x64xf32, #tpu.memory_space<vmem>> -> memref<50x64xf32, #tpu.memory_space<vmem>>
      %dma_start3A_185 = arith.constant 0 : i32
      %dma_start3A_186 = arith.constant 0 : i32
      %dma_start3A_187 = tpu.memref_slice %arg4[%add3A_121, %dma_start3A_185, %dma_start3A_186] : memref<4096x50x64xf32, #tpu.memory_space<hbm>> -> memref<1x50x64xf32, #tpu.memory_space<hbm>>
      %dma_start3A_188 = tpu.memref_squeeze %dma_start3A_187 : memref<1x50x64xf32, #tpu.memory_space<hbm>> -> memref<50x64xf32, #tpu.memory_space<hbm>>
      %dma_start3A_189 = arith.constant 0 : i32
      %dma_start3A_190 = arith.constant 0 : i32
      %dma_start3A_191 = tpu.memref_slice %arg4[%add3A_121, %dma_start3A_189, %dma_start3A_190] : memref<4096x50x64xf32, #tpu.memory_space<hbm>> -> memref<1x50x64xf32, #tpu.memory_space<hbm>>
      %dma_start3A_192 = tpu.memref_squeeze %dma_start3A_191 : memref<1x50x64xf32, #tpu.memory_space<hbm>> -> memref<50x64xf32, #tpu.memory_space<hbm>>
      %dma_start3A_193 = arith.constant 100 : i32
      %dma_start3A_194 = arith.constant 0 : i32
      %dma_start3A_195 = tpu.memref_slice %arg6[%dma_start3A_193, %dma_start3A_194] : memref<400x64xf32, #tpu.memory_space<vmem>> -> memref<50x64xf32, #tpu.memory_space<vmem>>
      tpu.enqueue_dma source(%dma_start3A_195 : memref<50x64xf32, #tpu.memory_space<vmem>>) target(%dma_start3A_192 : memref<50x64xf32, #tpu.memory_space<hbm>>) target_semaphore(%run_scoped3A : memref<!tpu.dma_semaphore, #tpu.memory_space<semaphore_mem>>)
      %dma_wait3A_196 = arith.constant 100 : i32
      %dma_wait3A_197 = arith.constant 0 : i32
      %dma_wait3A_198 = tpu.memref_slice %arg6[%dma_wait3A_196, %dma_wait3A_197] : memref<400x64xf32, #tpu.memory_space<vmem>> -> memref<50x64xf32, #tpu.memory_space<vmem>>
      %dma_wait3A_199 = arith.constant 0 : i32
      %dma_wait3A_200 = arith.constant 0 : i32
      %dma_wait3A_201 = tpu.memref_slice %arg4[%add3A_121, %dma_wait3A_199, %dma_wait3A_200] : memref<4096x50x64xf32, #tpu.memory_space<hbm>> -> memref<1x50x64xf32, #tpu.memory_space<hbm>>
      %dma_wait3A_202 = tpu.memref_squeeze %dma_wait3A_201 : memref<1x50x64xf32, #tpu.memory_space<hbm>> -> memref<50x64xf32, #tpu.memory_space<hbm>>
      %dma_wait3A_203 = arith.constant 0 : i32
      %dma_wait3A_204 = arith.constant 0 : i32
      %dma_wait3A_205 = tpu.memref_slice %arg4[%add3A_121, %dma_wait3A_203, %dma_wait3A_204] : memref<4096x50x64xf32, #tpu.memory_space<hbm>> -> memref<1x50x64xf32, #tpu.memory_space<hbm>>
      %dma_wait3A_206 = tpu.memref_squeeze %dma_wait3A_205 : memref<1x50x64xf32, #tpu.memory_space<hbm>> -> memref<50x64xf32, #tpu.memory_space<hbm>>
      %dma_wait3A_207 = arith.constant 100 : i32
      %dma_wait3A_208 = arith.constant 0 : i32
      %dma_wait3A_209 = tpu.memref_slice %arg6[%dma_wait3A_207, %dma_wait3A_208] : memref<400x64xf32, #tpu.memory_space<vmem>> -> memref<50x64xf32, #tpu.memory_space<vmem>>
      tpu.wait_dma2 semaphore(%run_scoped3A : memref<!tpu.dma_semaphore, #tpu.memory_space<semaphore_mem>>) src(%dma_wait3A_209 : memref<50x64xf32, #tpu.memory_space<vmem>>) dst(%dma_wait3A_206 : memref<50x64xf32, #tpu.memory_space<hbm>>)
      tpu.yield
    }) : () -> ()
    %dma_wait3A_122 = arith.constant 3 : i32
    %dma_wait3A_123 = arith.constant 150 : i32
    %dma_wait3A_124 = arith.constant 0 : i32
    %dma_wait3A_125 = tpu.memref_slice %arg6[%dma_wait3A_123, %dma_wait3A_124] : memref<400x64xf32, #tpu.memory_space<vmem>> -> memref<50x64xf32, #tpu.memory_space<vmem>>
    %dma_wait3A_126 = arith.constant 0 : i32
    %dma_wait3A_127 = tpu.memref_slice %arg5[%dma_wait3A_122, %dma_wait3A_126] : memref<128x50xi32, #tpu.memory_space<vmem>> -> memref<1x50xi32, #tpu.memory_space<vmem>>
    %dma_wait3A_128 = tpu.memref_squeeze %dma_wait3A_127 : memref<1x50xi32, #tpu.memory_space<vmem>> -> memref<50xi32, #tpu.memory_space<vmem>>
    %dma_wait3A_129 = arith.constant 0 : i32
    %dma_wait3A_130 = arith.constant 0 : i32
    %dma_wait3A_131 = tpu.memref_slice %arg3[%dma_wait3A_129, %dma_wait3A_130] : memref<1000000x64xf32, #tpu.memory_space<hbm>> -> memref<1000000x64xf32, #tpu.memory_space<hbm>>
    tpu.wait_indirect_dma semaphore(%arg10 : memref<!tpu.dma_semaphore, #tpu.memory_space<semaphore_mem>>) src(%dma_wait3A_131 : memref<1000000x64xf32, #tpu.memory_space<hbm>>) dst(%dma_wait3A_125 : memref<50x64xf32, #tpu.memory_space<vmem>>)
    %add3A_132 = arith.constant 123 : i32
    %add3A_133 = arith.addi %mul3A_2, %add3A_132 : i32
    "tpu.region"() ({
      %run_scoped3A = tpu.sem_alloc : memref<!tpu.dma_semaphore, #tpu.memory_space<semaphore_mem>>
      %dma_start3A_182 = arith.constant 150 : i32
      %dma_start3A_183 = arith.constant 0 : i32
      %dma_start3A_184 = tpu.memref_slice %arg6[%dma_start3A_182, %dma_start3A_183] : memref<400x64xf32, #tpu.memory_space<vmem>> -> memref<50x64xf32, #tpu.memory_space<vmem>>
      %dma_start3A_185 = arith.constant 0 : i32
      %dma_start3A_186 = arith.constant 0 : i32
      %dma_start3A_187 = tpu.memref_slice %arg4[%add3A_133, %dma_start3A_185, %dma_start3A_186] : memref<4096x50x64xf32, #tpu.memory_space<hbm>> -> memref<1x50x64xf32, #tpu.memory_space<hbm>>
      %dma_start3A_188 = tpu.memref_squeeze %dma_start3A_187 : memref<1x50x64xf32, #tpu.memory_space<hbm>> -> memref<50x64xf32, #tpu.memory_space<hbm>>
      %dma_start3A_189 = arith.constant 0 : i32
      %dma_start3A_190 = arith.constant 0 : i32
      %dma_start3A_191 = tpu.memref_slice %arg4[%add3A_133, %dma_start3A_189, %dma_start3A_190] : memref<4096x50x64xf32, #tpu.memory_space<hbm>> -> memref<1x50x64xf32, #tpu.memory_space<hbm>>
      %dma_start3A_192 = tpu.memref_squeeze %dma_start3A_191 : memref<1x50x64xf32, #tpu.memory_space<hbm>> -> memref<50x64xf32, #tpu.memory_space<hbm>>
      %dma_start3A_193 = arith.constant 150 : i32
      %dma_start3A_194 = arith.constant 0 : i32
      %dma_start3A_195 = tpu.memref_slice %arg6[%dma_start3A_193, %dma_start3A_194] : memref<400x64xf32, #tpu.memory_space<vmem>> -> memref<50x64xf32, #tpu.memory_space<vmem>>
      tpu.enqueue_dma source(%dma_start3A_195 : memref<50x64xf32, #tpu.memory_space<vmem>>) target(%dma_start3A_192 : memref<50x64xf32, #tpu.memory_space<hbm>>) target_semaphore(%run_scoped3A : memref<!tpu.dma_semaphore, #tpu.memory_space<semaphore_mem>>)
      %dma_wait3A_196 = arith.constant 150 : i32
      %dma_wait3A_197 = arith.constant 0 : i32
      %dma_wait3A_198 = tpu.memref_slice %arg6[%dma_wait3A_196, %dma_wait3A_197] : memref<400x64xf32, #tpu.memory_space<vmem>> -> memref<50x64xf32, #tpu.memory_space<vmem>>
      %dma_wait3A_199 = arith.constant 0 : i32
      %dma_wait3A_200 = arith.constant 0 : i32
      %dma_wait3A_201 = tpu.memref_slice %arg4[%add3A_133, %dma_wait3A_199, %dma_wait3A_200] : memref<4096x50x64xf32, #tpu.memory_space<hbm>> -> memref<1x50x64xf32, #tpu.memory_space<hbm>>
      %dma_wait3A_202 = tpu.memref_squeeze %dma_wait3A_201 : memref<1x50x64xf32, #tpu.memory_space<hbm>> -> memref<50x64xf32, #tpu.memory_space<hbm>>
      %dma_wait3A_203 = arith.constant 0 : i32
      %dma_wait3A_204 = arith.constant 0 : i32
      %dma_wait3A_205 = tpu.memref_slice %arg4[%add3A_133, %dma_wait3A_203, %dma_wait3A_204] : memref<4096x50x64xf32, #tpu.memory_space<hbm>> -> memref<1x50x64xf32, #tpu.memory_space<hbm>>
      %dma_wait3A_206 = tpu.memref_squeeze %dma_wait3A_205 : memref<1x50x64xf32, #tpu.memory_space<hbm>> -> memref<50x64xf32, #tpu.memory_space<hbm>>
      %dma_wait3A_207 = arith.constant 150 : i32
      %dma_wait3A_208 = arith.constant 0 : i32
      %dma_wait3A_209 = tpu.memref_slice %arg6[%dma_wait3A_207, %dma_wait3A_208] : memref<400x64xf32, #tpu.memory_space<vmem>> -> memref<50x64xf32, #tpu.memory_space<vmem>>
      tpu.wait_dma2 semaphore(%run_scoped3A : memref<!tpu.dma_semaphore, #tpu.memory_space<semaphore_mem>>) src(%dma_wait3A_209 : memref<50x64xf32, #tpu.memory_space<vmem>>) dst(%dma_wait3A_206 : memref<50x64xf32, #tpu.memory_space<hbm>>)
      tpu.yield
    }) : () -> ()
    %dma_wait3A_134 = arith.constant 4 : i32
    %dma_wait3A_135 = arith.constant 200 : i32
    %dma_wait3A_136 = arith.constant 0 : i32
    %dma_wait3A_137 = tpu.memref_slice %arg6[%dma_wait3A_135, %dma_wait3A_136] : memref<400x64xf32, #tpu.memory_space<vmem>> -> memref<50x64xf32, #tpu.memory_space<vmem>>
    %dma_wait3A_138 = arith.constant 0 : i32
    %dma_wait3A_139 = tpu.memref_slice %arg5[%dma_wait3A_134, %dma_wait3A_138] : memref<128x50xi32, #tpu.memory_space<vmem>> -> memref<1x50xi32, #tpu.memory_space<vmem>>
    %dma_wait3A_140 = tpu.memref_squeeze %dma_wait3A_139 : memref<1x50xi32, #tpu.memory_space<vmem>> -> memref<50xi32, #tpu.memory_space<vmem>>
    %dma_wait3A_141 = arith.constant 0 : i32
    %dma_wait3A_142 = arith.constant 0 : i32
    %dma_wait3A_143 = tpu.memref_slice %arg3[%dma_wait3A_141, %dma_wait3A_142] : memref<1000000x64xf32, #tpu.memory_space<hbm>> -> memref<1000000x64xf32, #tpu.memory_space<hbm>>
    tpu.wait_indirect_dma semaphore(%arg11 : memref<!tpu.dma_semaphore, #tpu.memory_space<semaphore_mem>>) src(%dma_wait3A_143 : memref<1000000x64xf32, #tpu.memory_space<hbm>>) dst(%dma_wait3A_137 : memref<50x64xf32, #tpu.memory_space<vmem>>)
    %add3A_144 = arith.constant 124 : i32
    %add3A_145 = arith.addi %mul3A_2, %add3A_144 : i32
    "tpu.region"() ({
      %run_scoped3A = tpu.sem_alloc : memref<!tpu.dma_semaphore, #tpu.memory_space<semaphore_mem>>
      %dma_start3A_182 = arith.constant 200 : i32
      %dma_start3A_183 = arith.constant 0 : i32
      %dma_start3A_184 = tpu.memref_slice %arg6[%dma_start3A_182, %dma_start3A_183] : memref<400x64xf32, #tpu.memory_space<vmem>> -> memref<50x64xf32, #tpu.memory_space<vmem>>
      %dma_start3A_185 = arith.constant 0 : i32
      %dma_start3A_186 = arith.constant 0 : i32
      %dma_start3A_187 = tpu.memref_slice %arg4[%add3A_145, %dma_start3A_185, %dma_start3A_186] : memref<4096x50x64xf32, #tpu.memory_space<hbm>> -> memref<1x50x64xf32, #tpu.memory_space<hbm>>
      %dma_start3A_188 = tpu.memref_squeeze %dma_start3A_187 : memref<1x50x64xf32, #tpu.memory_space<hbm>> -> memref<50x64xf32, #tpu.memory_space<hbm>>
      %dma_start3A_189 = arith.constant 0 : i32
      %dma_start3A_190 = arith.constant 0 : i32
      %dma_start3A_191 = tpu.memref_slice %arg4[%add3A_145, %dma_start3A_189, %dma_start3A_190] : memref<4096x50x64xf32, #tpu.memory_space<hbm>> -> memref<1x50x64xf32, #tpu.memory_space<hbm>>
      %dma_start3A_192 = tpu.memref_squeeze %dma_start3A_191 : memref<1x50x64xf32, #tpu.memory_space<hbm>> -> memref<50x64xf32, #tpu.memory_space<hbm>>
      %dma_start3A_193 = arith.constant 200 : i32
      %dma_start3A_194 = arith.constant 0 : i32
      %dma_start3A_195 = tpu.memref_slice %arg6[%dma_start3A_193, %dma_start3A_194] : memref<400x64xf32, #tpu.memory_space<vmem>> -> memref<50x64xf32, #tpu.memory_space<vmem>>
      tpu.enqueue_dma source(%dma_start3A_195 : memref<50x64xf32, #tpu.memory_space<vmem>>) target(%dma_start3A_192 : memref<50x64xf32, #tpu.memory_space<hbm>>) target_semaphore(%run_scoped3A : memref<!tpu.dma_semaphore, #tpu.memory_space<semaphore_mem>>)
      %dma_wait3A_196 = arith.constant 200 : i32
      %dma_wait3A_197 = arith.constant 0 : i32
      %dma_wait3A_198 = tpu.memref_slice %arg6[%dma_wait3A_196, %dma_wait3A_197] : memref<400x64xf32, #tpu.memory_space<vmem>> -> memref<50x64xf32, #tpu.memory_space<vmem>>
      %dma_wait3A_199 = arith.constant 0 : i32
      %dma_wait3A_200 = arith.constant 0 : i32
      %dma_wait3A_201 = tpu.memref_slice %arg4[%add3A_145, %dma_wait3A_199, %dma_wait3A_200] : memref<4096x50x64xf32, #tpu.memory_space<hbm>> -> memref<1x50x64xf32, #tpu.memory_space<hbm>>
      %dma_wait3A_202 = tpu.memref_squeeze %dma_wait3A_201 : memref<1x50x64xf32, #tpu.memory_space<hbm>> -> memref<50x64xf32, #tpu.memory_space<hbm>>
      %dma_wait3A_203 = arith.constant 0 : i32
      %dma_wait3A_204 = arith.constant 0 : i32
      %dma_wait3A_205 = tpu.memref_slice %arg4[%add3A_145, %dma_wait3A_203, %dma_wait3A_204] : memref<4096x50x64xf32, #tpu.memory_space<hbm>> -> memref<1x50x64xf32, #tpu.memory_space<hbm>>
      %dma_wait3A_206 = tpu.memref_squeeze %dma_wait3A_205 : memref<1x50x64xf32, #tpu.memory_space<hbm>> -> memref<50x64xf32, #tpu.memory_space<hbm>>
      %dma_wait3A_207 = arith.constant 200 : i32
      %dma_wait3A_208 = arith.constant 0 : i32
      %dma_wait3A_209 = tpu.memref_slice %arg6[%dma_wait3A_207, %dma_wait3A_208] : memref<400x64xf32, #tpu.memory_space<vmem>> -> memref<50x64xf32, #tpu.memory_space<vmem>>
      tpu.wait_dma2 semaphore(%run_scoped3A : memref<!tpu.dma_semaphore, #tpu.memory_space<semaphore_mem>>) src(%dma_wait3A_209 : memref<50x64xf32, #tpu.memory_space<vmem>>) dst(%dma_wait3A_206 : memref<50x64xf32, #tpu.memory_space<hbm>>)
      tpu.yield
    }) : () -> ()
    %dma_wait3A_146 = arith.constant 5 : i32
    %dma_wait3A_147 = arith.constant 250 : i32
    %dma_wait3A_148 = arith.constant 0 : i32
    %dma_wait3A_149 = tpu.memref_slice %arg6[%dma_wait3A_147, %dma_wait3A_148] : memref<400x64xf32, #tpu.memory_space<vmem>> -> memref<50x64xf32, #tpu.memory_space<vmem>>
    %dma_wait3A_150 = arith.constant 0 : i32
    %dma_wait3A_151 = tpu.memref_slice %arg5[%dma_wait3A_146, %dma_wait3A_150] : memref<128x50xi32, #tpu.memory_space<vmem>> -> memref<1x50xi32, #tpu.memory_space<vmem>>
    %dma_wait3A_152 = tpu.memref_squeeze %dma_wait3A_151 : memref<1x50xi32, #tpu.memory_space<vmem>> -> memref<50xi32, #tpu.memory_space<vmem>>
    %dma_wait3A_153 = arith.constant 0 : i32
    %dma_wait3A_154 = arith.constant 0 : i32
    %dma_wait3A_155 = tpu.memref_slice %arg3[%dma_wait3A_153, %dma_wait3A_154] : memref<1000000x64xf32, #tpu.memory_space<hbm>> -> memref<1000000x64xf32, #tpu.memory_space<hbm>>
    tpu.wait_indirect_dma semaphore(%arg12 : memref<!tpu.dma_semaphore, #tpu.memory_space<semaphore_mem>>) src(%dma_wait3A_155 : memref<1000000x64xf32, #tpu.memory_space<hbm>>) dst(%dma_wait3A_149 : memref<50x64xf32, #tpu.memory_space<vmem>>)
    %add3A_156 = arith.constant 125 : i32
    %add3A_157 = arith.addi %mul3A_2, %add3A_156 : i32
    "tpu.region"() ({
      %run_scoped3A = tpu.sem_alloc : memref<!tpu.dma_semaphore, #tpu.memory_space<semaphore_mem>>
      %dma_start3A_182 = arith.constant 250 : i32
      %dma_start3A_183 = arith.constant 0 : i32
      %dma_start3A_184 = tpu.memref_slice %arg6[%dma_start3A_182, %dma_start3A_183] : memref<400x64xf32, #tpu.memory_space<vmem>> -> memref<50x64xf32, #tpu.memory_space<vmem>>
      %dma_start3A_185 = arith.constant 0 : i32
      %dma_start3A_186 = arith.constant 0 : i32
      %dma_start3A_187 = tpu.memref_slice %arg4[%add3A_157, %dma_start3A_185, %dma_start3A_186] : memref<4096x50x64xf32, #tpu.memory_space<hbm>> -> memref<1x50x64xf32, #tpu.memory_space<hbm>>
      %dma_start3A_188 = tpu.memref_squeeze %dma_start3A_187 : memref<1x50x64xf32, #tpu.memory_space<hbm>> -> memref<50x64xf32, #tpu.memory_space<hbm>>
      %dma_start3A_189 = arith.constant 0 : i32
      %dma_start3A_190 = arith.constant 0 : i32
      %dma_start3A_191 = tpu.memref_slice %arg4[%add3A_157, %dma_start3A_189, %dma_start3A_190] : memref<4096x50x64xf32, #tpu.memory_space<hbm>> -> memref<1x50x64xf32, #tpu.memory_space<hbm>>
      %dma_start3A_192 = tpu.memref_squeeze %dma_start3A_191 : memref<1x50x64xf32, #tpu.memory_space<hbm>> -> memref<50x64xf32, #tpu.memory_space<hbm>>
      %dma_start3A_193 = arith.constant 250 : i32
      %dma_start3A_194 = arith.constant 0 : i32
      %dma_start3A_195 = tpu.memref_slice %arg6[%dma_start3A_193, %dma_start3A_194] : memref<400x64xf32, #tpu.memory_space<vmem>> -> memref<50x64xf32, #tpu.memory_space<vmem>>
      tpu.enqueue_dma source(%dma_start3A_195 : memref<50x64xf32, #tpu.memory_space<vmem>>) target(%dma_start3A_192 : memref<50x64xf32, #tpu.memory_space<hbm>>) target_semaphore(%run_scoped3A : memref<!tpu.dma_semaphore, #tpu.memory_space<semaphore_mem>>)
      %dma_wait3A_196 = arith.constant 250 : i32
      %dma_wait3A_197 = arith.constant 0 : i32
      %dma_wait3A_198 = tpu.memref_slice %arg6[%dma_wait3A_196, %dma_wait3A_197] : memref<400x64xf32, #tpu.memory_space<vmem>> -> memref<50x64xf32, #tpu.memory_space<vmem>>
      %dma_wait3A_199 = arith.constant 0 : i32
      %dma_wait3A_200 = arith.constant 0 : i32
      %dma_wait3A_201 = tpu.memref_slice %arg4[%add3A_157, %dma_wait3A_199, %dma_wait3A_200] : memref<4096x50x64xf32, #tpu.memory_space<hbm>> -> memref<1x50x64xf32, #tpu.memory_space<hbm>>
      %dma_wait3A_202 = tpu.memref_squeeze %dma_wait3A_201 : memref<1x50x64xf32, #tpu.memory_space<hbm>> -> memref<50x64xf32, #tpu.memory_space<hbm>>
      %dma_wait3A_203 = arith.constant 0 : i32
      %dma_wait3A_204 = arith.constant 0 : i32
      %dma_wait3A_205 = tpu.memref_slice %arg4[%add3A_157, %dma_wait3A_203, %dma_wait3A_204] : memref<4096x50x64xf32, #tpu.memory_space<hbm>> -> memref<1x50x64xf32, #tpu.memory_space<hbm>>
      %dma_wait3A_206 = tpu.memref_squeeze %dma_wait3A_205 : memref<1x50x64xf32, #tpu.memory_space<hbm>> -> memref<50x64xf32, #tpu.memory_space<hbm>>
      %dma_wait3A_207 = arith.constant 250 : i32
      %dma_wait3A_208 = arith.constant 0 : i32
      %dma_wait3A_209 = tpu.memref_slice %arg6[%dma_wait3A_207, %dma_wait3A_208] : memref<400x64xf32, #tpu.memory_space<vmem>> -> memref<50x64xf32, #tpu.memory_space<vmem>>
      tpu.wait_dma2 semaphore(%run_scoped3A : memref<!tpu.dma_semaphore, #tpu.memory_space<semaphore_mem>>) src(%dma_wait3A_209 : memref<50x64xf32, #tpu.memory_space<vmem>>) dst(%dma_wait3A_206 : memref<50x64xf32, #tpu.memory_space<hbm>>)
      tpu.yield
    }) : () -> ()
    %dma_wait3A_158 = arith.constant 6 : i32
    %dma_wait3A_159 = arith.constant 300 : i32
    %dma_wait3A_160 = arith.constant 0 : i32
    %dma_wait3A_161 = tpu.memref_slice %arg6[%dma_wait3A_159, %dma_wait3A_160] : memref<400x64xf32, #tpu.memory_space<vmem>> -> memref<50x64xf32, #tpu.memory_space<vmem>>
    %dma_wait3A_162 = arith.constant 0 : i32
    %dma_wait3A_163 = tpu.memref_slice %arg5[%dma_wait3A_158, %dma_wait3A_162] : memref<128x50xi32, #tpu.memory_space<vmem>> -> memref<1x50xi32, #tpu.memory_space<vmem>>
    %dma_wait3A_164 = tpu.memref_squeeze %dma_wait3A_163 : memref<1x50xi32, #tpu.memory_space<vmem>> -> memref<50xi32, #tpu.memory_space<vmem>>
    %dma_wait3A_165 = arith.constant 0 : i32
    %dma_wait3A_166 = arith.constant 0 : i32
    %dma_wait3A_167 = tpu.memref_slice %arg3[%dma_wait3A_165, %dma_wait3A_166] : memref<1000000x64xf32, #tpu.memory_space<hbm>> -> memref<1000000x64xf32, #tpu.memory_space<hbm>>
    tpu.wait_indirect_dma semaphore(%arg13 : memref<!tpu.dma_semaphore, #tpu.memory_space<semaphore_mem>>) src(%dma_wait3A_167 : memref<1000000x64xf32, #tpu.memory_space<hbm>>) dst(%dma_wait3A_161 : memref<50x64xf32, #tpu.memory_space<vmem>>)
    %add3A_168 = arith.constant 126 : i32
    %add3A_169 = arith.addi %mul3A_2, %add3A_168 : i32
    "tpu.region"() ({
      %run_scoped3A = tpu.sem_alloc : memref<!tpu.dma_semaphore, #tpu.memory_space<semaphore_mem>>
      %dma_start3A_182 = arith.constant 300 : i32
      %dma_start3A_183 = arith.constant 0 : i32
      %dma_start3A_184 = tpu.memref_slice %arg6[%dma_start3A_182, %dma_start3A_183] : memref<400x64xf32, #tpu.memory_space<vmem>> -> memref<50x64xf32, #tpu.memory_space<vmem>>
      %dma_start3A_185 = arith.constant 0 : i32
      %dma_start3A_186 = arith.constant 0 : i32
      %dma_start3A_187 = tpu.memref_slice %arg4[%add3A_169, %dma_start3A_185, %dma_start3A_186] : memref<4096x50x64xf32, #tpu.memory_space<hbm>> -> memref<1x50x64xf32, #tpu.memory_space<hbm>>
      %dma_start3A_188 = tpu.memref_squeeze %dma_start3A_187 : memref<1x50x64xf32, #tpu.memory_space<hbm>> -> memref<50x64xf32, #tpu.memory_space<hbm>>
      %dma_start3A_189 = arith.constant 0 : i32
      %dma_start3A_190 = arith.constant 0 : i32
      %dma_start3A_191 = tpu.memref_slice %arg4[%add3A_169, %dma_start3A_189, %dma_start3A_190] : memref<4096x50x64xf32, #tpu.memory_space<hbm>> -> memref<1x50x64xf32, #tpu.memory_space<hbm>>
      %dma_start3A_192 = tpu.memref_squeeze %dma_start3A_191 : memref<1x50x64xf32, #tpu.memory_space<hbm>> -> memref<50x64xf32, #tpu.memory_space<hbm>>
      %dma_start3A_193 = arith.constant 300 : i32
      %dma_start3A_194 = arith.constant 0 : i32
      %dma_start3A_195 = tpu.memref_slice %arg6[%dma_start3A_193, %dma_start3A_194] : memref<400x64xf32, #tpu.memory_space<vmem>> -> memref<50x64xf32, #tpu.memory_space<vmem>>
      tpu.enqueue_dma source(%dma_start3A_195 : memref<50x64xf32, #tpu.memory_space<vmem>>) target(%dma_start3A_192 : memref<50x64xf32, #tpu.memory_space<hbm>>) target_semaphore(%run_scoped3A : memref<!tpu.dma_semaphore, #tpu.memory_space<semaphore_mem>>)
      %dma_wait3A_196 = arith.constant 300 : i32
      %dma_wait3A_197 = arith.constant 0 : i32
      %dma_wait3A_198 = tpu.memref_slice %arg6[%dma_wait3A_196, %dma_wait3A_197] : memref<400x64xf32, #tpu.memory_space<vmem>> -> memref<50x64xf32, #tpu.memory_space<vmem>>
      %dma_wait3A_199 = arith.constant 0 : i32
      %dma_wait3A_200 = arith.constant 0 : i32
      %dma_wait3A_201 = tpu.memref_slice %arg4[%add3A_169, %dma_wait3A_199, %dma_wait3A_200] : memref<4096x50x64xf32, #tpu.memory_space<hbm>> -> memref<1x50x64xf32, #tpu.memory_space<hbm>>
      %dma_wait3A_202 = tpu.memref_squeeze %dma_wait3A_201 : memref<1x50x64xf32, #tpu.memory_space<hbm>> -> memref<50x64xf32, #tpu.memory_space<hbm>>
      %dma_wait3A_203 = arith.constant 0 : i32
      %dma_wait3A_204 = arith.constant 0 : i32
      %dma_wait3A_205 = tpu.memref_slice %arg4[%add3A_169, %dma_wait3A_203, %dma_wait3A_204] : memref<4096x50x64xf32, #tpu.memory_space<hbm>> -> memref<1x50x64xf32, #tpu.memory_space<hbm>>
      %dma_wait3A_206 = tpu.memref_squeeze %dma_wait3A_205 : memref<1x50x64xf32, #tpu.memory_space<hbm>> -> memref<50x64xf32, #tpu.memory_space<hbm>>
      %dma_wait3A_207 = arith.constant 300 : i32
      %dma_wait3A_208 = arith.constant 0 : i32
      %dma_wait3A_209 = tpu.memref_slice %arg6[%dma_wait3A_207, %dma_wait3A_208] : memref<400x64xf32, #tpu.memory_space<vmem>> -> memref<50x64xf32, #tpu.memory_space<vmem>>
      tpu.wait_dma2 semaphore(%run_scoped3A : memref<!tpu.dma_semaphore, #tpu.memory_space<semaphore_mem>>) src(%dma_wait3A_209 : memref<50x64xf32, #tpu.memory_space<vmem>>) dst(%dma_wait3A_206 : memref<50x64xf32, #tpu.memory_space<hbm>>)
      tpu.yield
    }) : () -> ()
    %dma_wait3A_170 = arith.constant 7 : i32
    %dma_wait3A_171 = arith.constant 350 : i32
    %dma_wait3A_172 = arith.constant 0 : i32
    %dma_wait3A_173 = tpu.memref_slice %arg6[%dma_wait3A_171, %dma_wait3A_172] : memref<400x64xf32, #tpu.memory_space<vmem>> -> memref<50x64xf32, #tpu.memory_space<vmem>>
    %dma_wait3A_174 = arith.constant 0 : i32
    %dma_wait3A_175 = tpu.memref_slice %arg5[%dma_wait3A_170, %dma_wait3A_174] : memref<128x50xi32, #tpu.memory_space<vmem>> -> memref<1x50xi32, #tpu.memory_space<vmem>>
    %dma_wait3A_176 = tpu.memref_squeeze %dma_wait3A_175 : memref<1x50xi32, #tpu.memory_space<vmem>> -> memref<50xi32, #tpu.memory_space<vmem>>
    %dma_wait3A_177 = arith.constant 0 : i32
    %dma_wait3A_178 = arith.constant 0 : i32
    %dma_wait3A_179 = tpu.memref_slice %arg3[%dma_wait3A_177, %dma_wait3A_178] : memref<1000000x64xf32, #tpu.memory_space<hbm>> -> memref<1000000x64xf32, #tpu.memory_space<hbm>>
    tpu.wait_indirect_dma semaphore(%arg14 : memref<!tpu.dma_semaphore, #tpu.memory_space<semaphore_mem>>) src(%dma_wait3A_179 : memref<1000000x64xf32, #tpu.memory_space<hbm>>) dst(%dma_wait3A_173 : memref<50x64xf32, #tpu.memory_space<vmem>>)
    %add3A_180 = arith.constant 127 : i32
    %add3A_181 = arith.addi %mul3A_2, %add3A_180 : i32
    "tpu.region"() ({
      %run_scoped3A = tpu.sem_alloc : memref<!tpu.dma_semaphore, #tpu.memory_space<semaphore_mem>>
      %dma_start3A_182 = arith.constant 350 : i32
      %dma_start3A_183 = arith.constant 0 : i32
      %dma_start3A_184 = tpu.memref_slice %arg6[%dma_start3A_182, %dma_start3A_183] : memref<400x64xf32, #tpu.memory_space<vmem>> -> memref<50x64xf32, #tpu.memory_space<vmem>>
      %dma_start3A_185 = arith.constant 0 : i32
      %dma_start3A_186 = arith.constant 0 : i32
      %dma_start3A_187 = tpu.memref_slice %arg4[%add3A_181, %dma_start3A_185, %dma_start3A_186] : memref<4096x50x64xf32, #tpu.memory_space<hbm>> -> memref<1x50x64xf32, #tpu.memory_space<hbm>>
      %dma_start3A_188 = tpu.memref_squeeze %dma_start3A_187 : memref<1x50x64xf32, #tpu.memory_space<hbm>> -> memref<50x64xf32, #tpu.memory_space<hbm>>
      %dma_start3A_189 = arith.constant 0 : i32
      %dma_start3A_190 = arith.constant 0 : i32
      %dma_start3A_191 = tpu.memref_slice %arg4[%add3A_181, %dma_start3A_189, %dma_start3A_190] : memref<4096x50x64xf32, #tpu.memory_space<hbm>> -> memref<1x50x64xf32, #tpu.memory_space<hbm>>
      %dma_start3A_192 = tpu.memref_squeeze %dma_start3A_191 : memref<1x50x64xf32, #tpu.memory_space<hbm>> -> memref<50x64xf32, #tpu.memory_space<hbm>>
      %dma_start3A_193 = arith.constant 350 : i32
      %dma_start3A_194 = arith.constant 0 : i32
      %dma_start3A_195 = tpu.memref_slice %arg6[%dma_start3A_193, %dma_start3A_194] : memref<400x64xf32, #tpu.memory_space<vmem>> -> memref<50x64xf32, #tpu.memory_space<vmem>>
      tpu.enqueue_dma source(%dma_start3A_195 : memref<50x64xf32, #tpu.memory_space<vmem>>) target(%dma_start3A_192 : memref<50x64xf32, #tpu.memory_space<hbm>>) target_semaphore(%run_scoped3A : memref<!tpu.dma_semaphore, #tpu.memory_space<semaphore_mem>>)
      %dma_wait3A_196 = arith.constant 350 : i32
      %dma_wait3A_197 = arith.constant 0 : i32
      %dma_wait3A_198 = tpu.memref_slice %arg6[%dma_wait3A_196, %dma_wait3A_197] : memref<400x64xf32, #tpu.memory_space<vmem>> -> memref<50x64xf32, #tpu.memory_space<vmem>>
      %dma_wait3A_199 = arith.constant 0 : i32
      %dma_wait3A_200 = arith.constant 0 : i32
      %dma_wait3A_201 = tpu.memref_slice %arg4[%add3A_181, %dma_wait3A_199, %dma_wait3A_200] : memref<4096x50x64xf32, #tpu.memory_space<hbm>> -> memref<1x50x64xf32, #tpu.memory_space<hbm>>
      %dma_wait3A_202 = tpu.memref_squeeze %dma_wait3A_201 : memref<1x50x64xf32, #tpu.memory_space<hbm>> -> memref<50x64xf32, #tpu.memory_space<hbm>>
      %dma_wait3A_203 = arith.constant 0 : i32
      %dma_wait3A_204 = arith.constant 0 : i32
      %dma_wait3A_205 = tpu.memref_slice %arg4[%add3A_181, %dma_wait3A_203, %dma_wait3A_204] : memref<4096x50x64xf32, #tpu.memory_space<hbm>> -> memref<1x50x64xf32, #tpu.memory_space<hbm>>
      %dma_wait3A_206 = tpu.memref_squeeze %dma_wait3A_205 : memref<1x50x64xf32, #tpu.memory_space<hbm>> -> memref<50x64xf32, #tpu.memory_space<hbm>>
      %dma_wait3A_207 = arith.constant 350 : i32
      %dma_wait3A_208 = arith.constant 0 : i32
      %dma_wait3A_209 = tpu.memref_slice %arg6[%dma_wait3A_207, %dma_wait3A_208] : memref<400x64xf32, #tpu.memory_space<vmem>> -> memref<50x64xf32, #tpu.memory_space<vmem>>
      tpu.wait_dma2 semaphore(%run_scoped3A : memref<!tpu.dma_semaphore, #tpu.memory_space<semaphore_mem>>) src(%dma_wait3A_209 : memref<50x64xf32, #tpu.memory_space<vmem>>) dst(%dma_wait3A_206 : memref<50x64xf32, #tpu.memory_space<hbm>>)
      tpu.yield
    }) : () -> ()
    return
  }
}

</mosaic_0001>

<sc_bundles>
// kernel: kernel.3.cloned.1.call-start
scs
__scs_entry_jumppad:
0x0: {  	(pc) =	sbr.rel $0x88, $3  }
0x1: {  	(tag) =	ssettag $0x0;
	lr =	simm.s32 $0x1  }
0x2: {  	[smem:$0x3F9F] =	sst lr;
	_ =	strace $0xD0000000  }
0x3: {  	_ = 	snop  }
0x4: {  	_ = 	snop  }
0x5: {  	_ = 	snop  }
0x6: {  	_ = 	snop  }
0x7: {  	_ = 	snop  }
__scs_overlays_trampoline_lowered:
0x8: {  	[smem:$0x3FAE] =	sst s0  }
0x9: {  	[smem:$0x3FAF] =	sst s1  }
0xa: {  	[smem:$0x3FB0] =	sst s2  }
0xb: {  	[smem:$0x3FB1] =	sst s3  }
0xc: {  	[smem:$0x3FB2] =	sst s4  }
0xd: {  	[smem:$0x3FB3] =	sst s5  }
0xe: {  	[smem:$0x3FB4] =	sst s6  }
0xf: {  	[smem:$0x3FB5] =	sst s7  }
0x10: {  	[smem:$0x3FB6] =	sst s8  }
0x11: {  	[smem:$0x3FB7] =	sst s9;
	s0 =	simm.s32 @!p0 $0x0  }
0x12: {  	s1 =	sld [smem:$0x3F9D];
	s0 =	simm.s32 @p0 $0x1  }
0x13: {  	[smem:$0x3FB8] =	sst s0;
	s0 =	simm.s32 @!p1 $0x0  }
0x14: {  	s2 =	sld [smem:$0x3F9C];
	s0 =	simm.s32 @p1 $0x1  }
0x15: {  	[smem:$0x3FB9] =	sst s0;
	s0 =	simm.s32 @!p2 $0x0  }
0x16: {  	s3 =	sld [smem:$0x3FDB];
	s0 =	simm.s32 @p2 $0x1  }
0x17: {  	s4 =	simm.s32 $0x1BF5;
	[smem:$0x3FBB] =	sst s0  }
0x18: {  	s0 =	sld [smem:$0x3F9E];
	_ =	swait.ge [sflag:s4], $0x0  }
0x19: {  	s7 =	sld [smem:$0x3F9F]  }
0x1a: {  	s8 =	sadd.s32 $0xFFFFE003, lr  }
0x1b: {  	s9 =	sadd.s32 $0xFFFFFEF7, lr;
	s5 =	simm.s32 $0xFFFFFFFF;
	p2 =	slt.u32 s8, $0xFFFFF086  }
0x1c: {  	p1 =	slt.u32 s9, $0xF7A;
	s5 =	simm.s32 @!p2 $0x0  }
0x1d: {  	s5 =	simm.s32 @p1 $0x1;
	p0 =	seq.s32 s7, s2  }
0x1e: {  	s7 =	smul.u32 @!p0 $0xF7A, s2;
	p2 =	seq.s32 @!p0 s5, $0x0  }
0x1f: {  	s9 =	smul.u32 $0xF7A, s1;
	s8 =	simm.s32 @!p0 $0x1BF5;
	p2 =	por !p2, p0  }
0x20: {  	[sflag:s8] =	ssyncset.s32 @!p0 $0xFFFFF086;
	s6 =	sadd.s32 @!p0 s3, s7;
	s7 =	simm.s32 @!p0 $0x108  }
0x21: {  	s3 =	sadd.s32 s3, s9;
	s6 =	sadd.s32 @!p0 $0x88, s6;
	s7 =	simm.s32 @p2 $0x1082  }
0x22: {  	[simem:s7], [sflag:s8] =	dma.local @!p0 [hbm:s6], $0xF7A  }
0x23: {  	s9 =	sor.u32 $0xD0000000, s2;
	s6 =	simm.s32 $0x108;
	_ =	swait.ge @!p0 [sflag:s8], $0x0  }
0x24: {  	s3 =	sadd.s32 $0x88, s3;
	s6 =	simm.s32 @!p1 $0x1082;
	[sflag:s4] =	ssyncset.s32 $0xFFFFF086  }
0x25: {  	[simem:s6], [sflag:s4] =	dma.local [hbm:s3], $0xF7A  }
0x26: {  	[smem:$0x3F9F] =	sst s1;
	(tag) =	ssettag s2;
	_ =	strace s9  }
0x27: {  	s1 =	sld [smem:$0x3FAF]  }
0x28: {  	s2 =	sld [smem:$0x3FB0]  }
0x29: {  	s4 =	sld [smem:$0x3FB2]  }
0x2a: {  	p0 =	seq.s32 s5, $0x0;
	s5 =	sld [smem:$0x3FB3]  }
0x2b: {  	s6 =	sld [smem:$0x3FB4]  }
0x2c: {  	s7 =	sld [smem:$0x3FB5]  }
0x2d: {  	s3 =	simm.s32 $0x108;
	s8 =	sld [smem:$0x3FB6]  }
0x2e: {  	s3 =	simm.s32 @!p0 $0x1082;
	s9 =	sld [smem:$0x3FB7]  }
0x2f: {  	lr =	sadd.s32 s0, s3;
	s0 =	sld [smem:$0x3FAE]  }
0x30: {  	s3 =	sld [smem:$0x3FB1]  }
0x31: {  	[smem:$0x3FBA] =	sst s10  }
0x32: {  	s10 =	sld [smem:$0x3FB8];
	_ =	sdelay $0x3  }
0x33: {  	p0 =	seq.s32 s10, $0x1;
	s10 =	sld [smem:$0x3FBA];
	_ =	sdelay $0x3  }
0x34: {  	[smem:$0x3FBA] =	sst s10  }
0x35: {  	s10 =	sld [smem:$0x3FB9];
	_ =	sdelay $0x3  }
0x36: {  	p1 =	seq.s32 s10, $0x1;
	s10 =	sld [smem:$0x3FBA];
	_ =	sdelay $0x3  }
0x37: {  	[smem:$0x3FBA] =	sst s10  }
0x38: {  	s10 =	sld [smem:$0x3FBB]  }
0x39: {  	_ = 	snop;
	(pc) =	sbr.ind lr, $3  }
0x3a: {  	_ = 	snop  }
0x3b: {  	_ = 	snop  }
0x3c: {  	p2 =	seq.s32 s10, $0x1;
	s10 =	sld [smem:$0x3FBA]  }
0x3d: {  	_ =	shalt  }
0x3e: {  	_ =	shalt  }
0x3f: {  	_ =	shalt  }
0x40: {  	_ =	shalt  }
0x41: {  	_ =	shalt  }
0x42: {  	_ =	shalt  }
0x43: {  	_ =	shalt  }
0x44: {  	_ =	shalt  }
0x45: {  	_ =	shalt  }
0x46: {  	_ =	shalt  }
0x47: {  	_ =	shalt  }
0x48: {  	_ =	shalt  }
0x49: {  	_ =	shalt  }
0x4a: {  	_ =	shalt  }
0x4b: {  	_ =	shalt  }
0x4c: {  	_ =	shalt  }
0x4d: {  	_ =	shalt  }
0x4e: {  	_ =	shalt  }
0x4f: {  	_ =	shalt  }
0x50: {  	_ =	shalt  }
0x51: {  	_ =	shalt  }
0x52: {  	_ =	shalt  }
0x53: {  	_ =	shalt  }
0x54: {  	_ =	shalt  }
0x55: {  	_ =	shalt  }
0x56: {  	_ =	shalt  }
0x57: {  	_ =	shalt  }
0x58: {  	_ =	shalt  }
0x59: {  	_ =	shalt  }
0x5a: {  	_ =	shalt  }
0x5b: {  	_ =	shalt  }
0x5c: {  	_ =	shalt  }
0x5d: {  	_ =	shalt  }
0x5e: {  	_ =	shalt  }
0x5f: {  	_ =	shalt  }
0x60: {  	_ =	shalt  }
0x61: {  	_ =	shalt  }
0x62: {  	_ =	shalt  }
0x63: {  	_ =	shalt  }
0x64: {  	_ =	shalt  }
0x65: {  	_ =	shalt  }
0x66: {  	_ =	shalt  }
0x67: {  	_ =	shalt  }
0x68: {  	_ =	shalt  }
0x69: {  	_ =	shalt  }
0x6a: {  	_ =	shalt  }
0x6b: {  	_ =	shalt  }
0x6c: {  	_ =	shalt  }
0x6d: {  	_ =	shalt  }
0x6e: {  	_ =	shalt  }
0x6f: {  	_ =	shalt  }
0x70: {  	_ =	shalt  }
0x71: {  	_ =	shalt  }
0x72: {  	_ =	shalt  }
0x73: {  	_ =	shalt  }
0x74: {  	_ =	shalt  }
0x75: {  	_ =	shalt  }
0x76: {  	_ =	shalt  }
0x77: {  	_ =	shalt  }
0x78: {  	_ =	shalt  }
0x79: {  	_ =	shalt  }
0x7a: {  	_ =	shalt  }
0x7b: {  	_ =	shalt  }
0x7c: {  	_ =	shalt  }
0x7d: {  	_ =	shalt  }
0x7e: {  	_ =	shalt  }
0x7f: {  	_ =	shalt  }
0x80: {  	_ =	shalt  }
0x81: {  	_ =	shalt  }
0x82: {  	_ =	shalt  }
0x83: {  	_ =	shalt  }
0x84: {  	_ =	shalt  }
0x85: {  	_ =	shalt  }
0x86: {  	_ =	shalt  }
0x87: {  	_ =	shalt  }
.Lfunc_end0:
.L_simem_size_0:
called_computation.1_lowered:
.L_overlay_start_0:
0x88: {  	s2 =	sld [smem:$0x3FD9]  }
0x89: {  	s3 =	sld [smem:$0x3FFE];
	_ =	sdelay $0x1  }
0x8a: {  	s1 =	srdreg.scid  }
0x8b: {  	s0 =	sand.u32 $0x1, s1  }
0x8c: {  	s17 =	sshll.u32 s0, $0xA;
	s2 =	sadd.s32 s3, s2  }
0x8d: {  	s2 =	sadd.s32 s2, s17  }
0x8e: {  	[smem:$0x3FC6] =	sst s2  }
0x8f: {  	_ = 	snop  }
0x90: {  	s2 =	sld [smem:$0x3FD0];
	(tm) =	ssettm $0x1  }
0x91: {  	s18 =	sld [smem:$0x3FFB];
	_ =	sdelay $0x3  }
0x92: {  	_ =	strace s18  }
0x93: {  	s3 =	sld [smem:$0x3FFC];
	_ =	sdelay $0x3  }
0x94: {  	_ =	strace s3  }
0x95: {  	s3 =	sld [smem:$0x3FFD];
	_ =	sdelay $0x3  }
0x96: {  	_ =	strace s3  }
0x97: {  	_ =	strace $0x8FFFFFFF  }
0x98: {  	s19 =	sld [smem:$0x3FDB];
	_ =	sdelay $0x1  }
0x99: {  	s4 =	simm.s32 $_scs_section_size  }
0x9a: {  	s5 =	simm.s32 $_size__tile_overlayer_lowered;
	s6 =	simm.s32 $_tile_overlayer_lowered  }
0x9b: {  	s22 =	simm.s32 $0x1BFF;
	s21 =	sshll.u32 s6, $0x1;
	s3 =	sadd.s32 s4, s19  }
0x9c: {  	s7 =	simm.s32 $0x0;
	s20 =	sshll.u32 s5, $0x1;
	s5 =	sadd.s32 s21, s3  }
0x9d: {  	[timem:s7], [sflag:s22] =	dma.local [hbm:s5], s20  }
0x9e: {  	_ =	swait.ge [sflag:s22], s20  }
0x9f: {  	s4 =	ssub.s32 $0x0, s20;
	[sflag:s22] =	ssyncset.done $0x0  }
0xa0: {  	[sflag:s22] =	ssyncadd.s32 s4;
	_ =	sdelay $0x1  }
0xa1: {  	s23 =	simm.s32 $0x1B8B  }
0xa2: {  	_ =	swait.ge [sflag:s23], $0x1  }
0xa3: {  	[sflag:s23] =	ssyncset.done $0x0  }
0xa4: {  	s25 =	simm.s32 $0x1B8E;
	s24 =	sld [smem:$0x3FFE];
	[sflag:s23] =	ssyncadd.s32 $0xFFFFFFFF  }
0xa5: {  	s26 =	simm.s32 $execute0_lowered;
	[smem:$0x3FD2] =	sst s25  }
0xa6: {  	s5 =	sshll.u32 s26, $0x1;
	_ =	strace $0x80000046;
	[dreg:$0x1] =	wrdreg $0xFFFFFFFF  }
0xa7: {  	s28 =	simm.s32 $_size_execute0_lowered;
	s3 =	sadd.s32 s3, s5;
	[dreg:$0x0] =	wrdreg $0x0  }
0xa8: {  	s5 =	sshll.u32 s28, $0x1;
	[dreg:$0x2] =	wrdreg s3  }
0xa9: {  	[dreg:$0x3] =	wrdreg s5  }
0xaa: {  	[dreg:$0x4] =	wrdreg $0xC0  }
0xab: {  	_ =	task [dreg:s7], $0x5FFFF  }
0xac: {  	[dreg:$0x1] =	wrdreg $0xFFFFFFFF  }
0xad: {  	[dreg:$0x0] =	wrdreg $0x60  }
0xae: {  	[dreg:$0x2] =	wrdreg s24  }
0xaf: {  	[dreg:$0x3] =	wrdreg s2  }
0xb0: {  	[dreg:$0x4] =	wrdreg $0x9  }
0xb1: {  	_ =	task.clear_ibuf [dreg:s7], $0x5FFFF;
	_ =	strace $0x90000046  }
0xb2: {  	s29 =	simm.s32 $0x9;
	_ =	strace $0x80000048  }
0xb3: {  	_ =	swait.ge [sflag:s29], $0x1  }
0xb4: {  	[sflag:s29] =	ssyncadd.s32 $0xFFFFFFFF  }
0xb5: {  	_ =	strace $0x90000048  }
0xb6: {  	_ =	sfence  }
0xb7: {  	s30 =	sld [smem:$0x0];
	_ =	sdelay $0x2  }
0xb8: {  	s31 =	sshll.u32 s1, $0xD;
	s1 =	sshrl.u32 s1, $0x2  }
0xb9: {  	s3 =	sand.u32 $0x4000, s31;
	s1 =	sadd.s32 s1, s30  }
0xba: {  	s0 =	sor.u32 s3, s0;
	s1 =	sshll.u32 s1, $0x11  }
0xbb: {  	s0 =	sor.u32 s1, s0  }
0xbc: {  	s0 =	sadd.s32 $0x8F2B, s0  }
0xbd: {  	[sflag:s0] =	ssyncadd.remote.s32 $0x1  }
0xbe: {  	_ =	sfence.sel $0xFFFF  }
0xbf: {  	[dreg:$0x0] =	wrdreg $0xFFFFFFFF;
	(pc) =	sbr.abs _section_cstart, $3  }
0xc0: {  	[dreg:$0x1] =	wrdreg $0xFFFFFFFF  }
0xc1: {  	_ =	task.clear_ibuf [dreg:s7], $0x2FFFF;
	_ =	strace $0x9FFFFFFF  }
0xc2: {  	(tm) =	ssettm $0x7FFFFFFF  }
0xc3: {  	_ =	shalt  }
tec
execute0_lowered:
.L_overlay_start_1:
0x0: {  	(tag) =	ssettag $0x1  }
0x1: {  	s0 =	srdreg.scid;
	s1 =	rddreg [dreg:$0x0]  }
0x2: {  	s8 =	stileid.u32;
	s4 =	rddreg [dreg:$0x1]  }
0x3: {  	s15 =	simm.s32 $0x9;
	s16 =	simm.s32 $0x32;
	s17 =	simm.s32 $0x1C00  }
0x4: {  	s19 =	simm.s32 $0x2880;
	s28 =	simm.s32 $0x5A80;
	s30 =	simm.s32 $0x6700  }
0x5: {  	s18 =	simm.s32 $0x2;
	s29 =	simm.s32 $0x7;
	s31 =	simm.s32 $0x8  }
0x6: {  	s0 =	sand.u32 $0x1, s0;
	s2 =	sshll.u32 s8, $0x8;
	s25 =	smul.u32 $0x19000, s8  }
0x7: {  	s3 =	sshll.u32 s0, $0x7;
	s7 =	ssub.s32 $0x2, s0;
	s0 =	smul.u32 $0xC800, s0  }
0x8: {  	s3 =	sor.u32 s3, s2;
	s2 =	simm.s32 $0x0;
	s20 =	sshrl.u32 s7, $0x1  }
0x9: {  	s26 =	sadd.s32 s25, s4;
	s25 =	simm.s32 $0x4E00;
	s5 =	smul.u32 $0x7, s3  }
0xa: {  	[smem:$0x7FF] =	sst s2;
	s6 =	smul.u32 $0xC80, s3;
	s3 =	sadd.s32 $0xF42E00, s1  }
0xb: {  	s14 =	sadd.s32 s0, s26;
	s0 =	simm.s32 $0x1;
	s26 =	simm.s32 $0x6  }
0xc: {  	_ =	strace $0x80000047;
	s5 =	sadd.s32 s5, s1;
	s6 =	sshrl.u32 s6, $0x3  }
0xd: {  	s1 =	ssub.s32 s7, s20;
	s20 =	simm.s32 $0x3;
	s5 =	sadd.s32 $0xA00, s5  }
0xe: {  	s21 =	sadd.s32 s4, s6;
	s13 =	smax.u32 s1, $0x1;
	s1 =	simm.s32 $0x7380  }
0xf: {  	s4 =	simm.s32 $0x0;
	[dreg:$0x3] =	wrdreg s5;
	s6 =	sadd.s32 $0xBB80, s21  }
0x10: {  	s22 =	sadd.s32 $0xBD10, s21;
	s23 =	sadd.s32 $0xBEA0, s21;
	[dreg:$0x4] =	wrdreg s6  }
0x11: {  	s24 =	sadd.s32 $0xC030, s21;
	s9 =	sadd.s32 $0xC1C0, s21;
	[dreg:$0x5] =	wrdreg s22  }
0x12: {  	s10 =	sadd.s32 $0xC350, s21;
	s11 =	sadd.s32 $0xC4E0, s21;
	[dreg:$0x6] =	wrdreg s23  }
0x13: {  	s12 =	sadd.s32 $0xC670, s21;
	s21 =	simm.s32 $0x3500;
	[dreg:$0x7] =	wrdreg s24  }
0x14: {  	s23 =	simm.s32 $0x4180;
	s22 =	simm.s32 $0x4;
	s24 =	simm.s32 $0x5  }
.LBB2_1:
0x15: {  	s5 =	rddreg [dreg:$0x3]  }
0x16: {  	[tilespmem:s2], [sflag:$0x9] =	stream.linear.gather [hbm4b:s5+s2], $0x1C00, $0x38;
	[tilespmem:$0x8000] =	vst v63  }
0x17: {  	_ =	swait.ge [sflag:s15], $0x1C00  }
0x18: {  	[sflag:s15] =	ssyncset.done $0x0  }
0x19: {  	[sflag:s15] =	ssyncadd.s32 $0xFFFFE400  }
0x1a: {  	[tilespmem:s17], [sflag:$0x1] =	stream.indirect.gather [hbm4b:s3+s16], $0x40, s2, s16, $0xb8;
	[tilespmem:$0x8000] =	vst v63  }
0x1b: {  	s6 =	simm.s32 $0x38  }
0x1c: {  	[tilespmem:s19], [sflag:$0x2] =	stream.indirect.gather [hbm4b:s3+s16], $0x40, s6, s16, $0xb8;
	[tilespmem:$0x8000] =	vst v63  }
0x1d: {  	s7 =	simm.s32 $0x70  }
0x1e: {  	[tilespmem:s21], [sflag:$0x3] =	stream.indirect.gather [hbm4b:s3+s16], $0x40, s7, s16, $0xb8;
	[tilespmem:$0x8000] =	vst v63  }
0x1f: {  	s8 =	simm.s32 $0xA8  }
0x20: {  	[tilespmem:s23], [sflag:$0x4] =	stream.indirect.gather [hbm4b:s3+s16], $0x40, s8, s16, $0xb8;
	[tilespmem:$0x8000] =	vst v63  }
0x21: {  	s6 =	simm.s32 $0xE0  }
0x22: {  	[tilespmem:s25], [sflag:$0x5] =	stream.indirect.gather [hbm4b:s3+s16], $0x40, s6, s16, $0xb8;
	[tilespmem:$0x8000] =	vst v63  }
0x23: {  	s7 =	simm.s32 $0x118  }
0x24: {  	[tilespmem:s28], [sflag:$0x6] =	stream.indirect.gather [hbm4b:s3+s16], $0x40, s7, s16, $0xb8;
	[tilespmem:$0x8000] =	vst v63  }
0x25: {  	s8 =	simm.s32 $0x150  }
0x26: {  	[tilespmem:s30], [sflag:$0x7] =	stream.indirect.gather [hbm4b:s3+s16], $0x40, s8, s16, $0xb8;
	[tilespmem:$0x8000] =	vst v63  }
0x27: {  	s6 =	simm.s32 $0x188  }
0x28: {  	[tilespmem:s1], [sflag:$0x8] =	stream.indirect.gather [hbm4b:s3+s16], $0x40, s6, s16, $0xb8;
	[tilespmem:$0x8000] =	vst v63  }
0x29: {  	_ =	swait.ge [sflag:s0], $0xC80  }
0x2a: {  	[sflag:s0] =	ssyncset.done $0x0  }
0x2b: {  	[sflag:s0] =	ssyncadd.s32 $0xFFFFF380  }
0x2c: {  	[hbm4b:s14+s2] =	stream.linear.scatter [tilespmem:s17], [sflag:$0x9], $0xC80, $0x38;
	[tilespmem:$0x8000] =	vst v63  }
0x2d: {  	_ =	swait.ge [sflag:s15], $0xC80  }
0x2e: {  	[sflag:s15] =	ssyncset.done $0x0  }
0x2f: {  	s7 =	simm.s32 $0x1C0;
	[sflag:s15] =	ssyncadd.s32 $0xFFFFF380  }
0x30: {  	[tilespmem:s17], [sflag:$0x1] =	stream.indirect.gather [hbm4b:s3+s16], $0x40, s7, s16, $0xb8;
	[tilespmem:$0x8000] =	vst v63  }
0x31: {  	_ =	swait.ge [sflag:s18], $0xC80  }
0x32: {  	[sflag:s18] =	ssyncset.done $0x0  }
0x33: {  	s8 =	sadd.s32 $0x190, s14;
	[sflag:s18] =	ssyncadd.s32 $0xFFFFF380  }
0x34: {  	[hbm4b:s8+s2] =	stream.linear.scatter [tilespmem:s19], [sflag:$0x9], $0xC80, $0x38;
	[tilespmem:$0x8000] =	vst v63  }
0x35: {  	_ =	swait.ge [sflag:s15], $0xC80  }
0x36: {  	[sflag:s15] =	ssyncset.done $0x0  }
0x37: {  	s6 =	simm.s32 $0x1F8;
	[sflag:s15] =	ssyncadd.s32 $0xFFFFF380  }
0x38: {  	[tilespmem:s19], [sflag:$0x2] =	stream.indirect.gather [hbm4b:s3+s16], $0x40, s6, s16, $0xb8;
	[tilespmem:$0x8000] =	vst v63  }
0x39: {  	_ =	swait.ge [sflag:s20], $0xC80  }
0x3a: {  	[sflag:s20] =	ssyncset.done $0x0  }
0x3b: {  	s7 =	sadd.s32 $0x320, s14;
	[sflag:s20] =	ssyncadd.s32 $0xFFFFF380  }
0x3c: {  	[hbm4b:s7+s2] =	stream.linear.scatter [tilespmem:s21], [sflag:$0x9], $0xC80, $0x38;
	[tilespmem:$0x8000] =	vst v63  }
0x3d: {  	_ =	swait.ge [sflag:s15], $0xC80  }
0x3e: {  	[sflag:s15] =	ssyncset.done $0x0  }
0x3f: {  	s8 =	simm.s32 $0x230;
	[sflag:s15] =	ssyncadd.s32 $0xFFFFF380  }
0x40: {  	[tilespmem:s21], [sflag:$0x3] =	stream.indirect.gather [hbm4b:s3+s16], $0x40, s8, s16, $0xb8;
	[tilespmem:$0x8000] =	vst v63  }
0x41: {  	_ =	swait.ge [sflag:s22], $0xC80  }
0x42: {  	[sflag:s22] =	ssyncset.done $0x0  }
0x43: {  	s6 =	sadd.s32 $0x4B0, s14;
	[sflag:s22] =	ssyncadd.s32 $0xFFFFF380  }
0x44: {  	[hbm4b:s6+s2] =	stream.linear.scatter [tilespmem:s23], [sflag:$0x9], $0xC80, $0x38;
	[tilespmem:$0x8000] =	vst v63  }
0x45: {  	_ =	swait.ge [sflag:s15], $0xC80  }
0x46: {  	[sflag:s15] =	ssyncset.done $0x0  }
0x47: {  	s7 =	simm.s32 $0x268;
	[sflag:s15] =	ssyncadd.s32 $0xFFFFF380  }
0x48: {  	[tilespmem:s23], [sflag:$0x4] =	stream.indirect.gather [hbm4b:s3+s16], $0x40, s7, s16, $0xb8;
	[tilespmem:$0x8000] =	vst v63  }
0x49: {  	_ =	swait.ge [sflag:s24], $0xC80  }
0x4a: {  	[sflag:s24] =	ssyncset.done $0x0  }
0x4b: {  	s8 =	sadd.s32 $0x640, s14;
	[sflag:s24] =	ssyncadd.s32 $0xFFFFF380  }
0x4c: {  	[hbm4b:s8+s2] =	stream.linear.scatter [tilespmem:s25], [sflag:$0x9], $0xC80, $0x38;
	[tilespmem:$0x8000] =	vst v63  }
0x4d: {  	_ =	swait.ge [sflag:s15], $0xC80  }
0x4e: {  	[sflag:s15] =	ssyncset.done $0x0  }
0x4f: {  	s6 =	simm.s32 $0x2A0;
	[sflag:s15] =	ssyncadd.s32 $0xFFFFF380  }
0x50: {  	[tilespmem:s25], [sflag:$0x5] =	stream.indirect.gather [hbm4b:s3+s16], $0x40, s6, s16, $0xb8;
	[tilespmem:$0x8000] =	vst v63  }
0x51: {  	_ =	swait.ge [sflag:s26], $0xC80  }
0x52: {  	[sflag:s26] =	ssyncset.done $0x0  }
0x53: {  	s7 =	sadd.s32 $0x7D0, s14;
	[sflag:s26] =	ssyncadd.s32 $0xFFFFF380  }
0x54: {  	[hbm4b:s7+s2] =	stream.linear.scatter [tilespmem:s28], [sflag:$0x9], $0xC80, $0x38;
	[tilespmem:$0x8000] =	vst v63  }
0x55: {  	_ =	swait.ge [sflag:s15], $0xC80  }
0x56: {  	[sflag:s15] =	ssyncset.done $0x0  }
0x57: {  	s8 =	simm.s32 $0x2D8;
	[sflag:s15] =	ssyncadd.s32 $0xFFFFF380  }
0x58: {  	[tilespmem:s28], [sflag:$0x6] =	stream.indirect.gather [hbm4b:s3+s16], $0x40, s8, s16, $0xb8;
	[tilespmem:$0x8000] =	vst v63  }
0x59: {  	_ =	swait.ge [sflag:s29], $0xC80  }
0x5a: {  	[sflag:s29] =	ssyncset.done $0x0  }
0x5b: {  	s6 =	sadd.s32 $0x960, s14;
	[sflag:s29] =	ssyncadd.s32 $0xFFFFF380  }
0x5c: {  	[hbm4b:s6+s2] =	stream.linear.scatter [tilespmem:s30], [sflag:$0x9], $0xC80, $0x38;
	[tilespmem:$0x8000] =	vst v63  }
0x5d: {  	_ =	swait.ge [sflag:s15], $0xC80  }
0x5e: {  	[sflag:s15] =	ssyncset.done $0x0  }
0x5f: {  	s7 =	simm.s32 $0x310;
	[sflag:s15] =	ssyncadd.s32 $0xFFFFF380  }
0x60: {  	[tilespmem:s30], [sflag:$0x7] =	stream.indirect.gather [hbm4b:s3+s16], $0x40, s7, s16, $0xb8;
	[tilespmem:$0x8000] =	vst v63  }
0x61: {  	_ =	swait.ge [sflag:s31], $0xC80  }
0x62: {  	[sflag:s31] =	ssyncset.done $0x0  }
0x63: {  	s8 =	sadd.s32 $0xAF0, s14;
	[sflag:s31] =	ssyncadd.s32 $0xFFFFF380  }
0x64: {  	[hbm4b:s8+s2] =	stream.linear.scatter [tilespmem:s1], [sflag:$0x9], $0xC80, $0x38;
	[tilespmem:$0x8000] =	vst v63  }
0x65: {  	_ =	swait.ge [sflag:s15], $0xC80  }
0x66: {  	s5 =	simm.s32 $0x700;
	[sflag:s15] =	ssyncset.done $0x0  }
0x67: {  	s6 =	sadd.s32 $0xC80, s14;
	s7 =	simm.s32 $0x348;
	[sflag:s15] =	ssyncadd.s32 $0xFFFFF380  }
.LBB2_2:
0x68: {  	[tilespmem:s1], [sflag:$0x8] =	stream.indirect.gather [hbm4b:s3+s16], $0x40, s7, s16, $0xb8;
	[tilespmem:$0x8000] =	vst v63  }
0x69: {  	s7 =	smov.u32 s5  }
0x6a: {  	p0 =	sne.s32 s5, $0x6200;
	s5 =	sadd.s32 $0x700, s5;
	_ =	swait.ge [sflag:s0], $0xC80  }
0x6b: {  	[sflag:s0] =	ssyncset.done $0x0  }
0x6c: {  	[sflag:s0] =	ssyncadd.s32 $0xFFFFF380  }
0x6d: {  	[hbm4b:s6+s2] =	stream.linear.scatter [tilespmem:s17], [sflag:$0x9], $0xC80, $0x38;
	[tilespmem:$0x8000] =	vst v63  }
0x6e: {  	_ =	swait.ge [sflag:s15], $0xC80  }
0x6f: {  	s7 =	sshra.s32 s7, $0x2;
	[sflag:s15] =	ssyncset.done $0x0  }
0x70: {  	s8 =	sadd.s32 $0x1C0, s7;
	[sflag:s15] =	ssyncadd.s32 $0xFFFFF380  }
0x71: {  	[tilespmem:s17], [sflag:$0x1] =	stream.indirect.gather [hbm4b:s3+s16], $0x40, s8, s16, $0xb8;
	[tilespmem:$0x8000] =	vst v63  }
0x72: {  	_ =	swait.ge [sflag:s18], $0xC80  }
0x73: {  	[sflag:s18] =	ssyncset.done $0x0  }
0x74: {  	s8 =	sadd.s32 $0x190, s6;
	[sflag:s18] =	ssyncadd.s32 $0xFFFFF380  }
0x75: {  	[hbm4b:s8+s2] =	stream.linear.scatter [tilespmem:s19], [sflag:$0x9], $0xC80, $0x38;
	[tilespmem:$0x8000] =	vst v63  }
0x76: {  	_ =	swait.ge [sflag:s15], $0xC80  }
0x77: {  	[sflag:s15] =	ssyncset.done $0x0  }
0x78: {  	s8 =	sadd.s32 $0x1F8, s7;
	[sflag:s15] =	ssyncadd.s32 $0xFFFFF380  }
0x79: {  	[tilespmem:s19], [sflag:$0x2] =	stream.indirect.gather [hbm4b:s3+s16], $0x40, s8, s16, $0xb8;
	[tilespmem:$0x8000] =	vst v63  }
0x7a: {  	_ =	swait.ge [sflag:s20], $0xC80  }
0x7b: {  	[sflag:s20] =	ssyncset.done $0x0  }
0x7c: {  	s8 =	sadd.s32 $0x320, s6;
	[sflag:s20] =	ssyncadd.s32 $0xFFFFF380  }
0x7d: {  	[hbm4b:s8+s2] =	stream.linear.scatter [tilespmem:s21], [sflag:$0x9], $0xC80, $0x38;
	[tilespmem:$0x8000] =	vst v63  }
0x7e: {  	_ =	swait.ge [sflag:s15], $0xC80  }
0x7f: {  	[sflag:s15] =	ssyncset.done $0x0  }
0x80: {  	s8 =	sadd.s32 $0x230, s7;
	[sflag:s15] =	ssyncadd.s32 $0xFFFFF380  }
0x81: {  	[tilespmem:s21], [sflag:$0x3] =	stream.indirect.gather [hbm4b:s3+s16], $0x40, s8, s16, $0xb8;
	[tilespmem:$0x8000] =	vst v63  }
0x82: {  	_ =	swait.ge [sflag:s22], $0xC80  }
0x83: {  	[sflag:s22] =	ssyncset.done $0x0  }
0x84: {  	s8 =	sadd.s32 $0x4B0, s6;
	[sflag:s22] =	ssyncadd.s32 $0xFFFFF380  }
0x85: {  	[hbm4b:s8+s2] =	stream.linear.scatter [tilespmem:s23], [sflag:$0x9], $0xC80, $0x38;
	[tilespmem:$0x8000] =	vst v63  }
0x86: {  	_ =	swait.ge [sflag:s15], $0xC80  }
0x87: {  	[sflag:s15] =	ssyncset.done $0x0  }
0x88: {  	s8 =	sadd.s32 $0x268, s7;
	[sflag:s15] =	ssyncadd.s32 $0xFFFFF380  }
0x89: {  	[tilespmem:s23], [sflag:$0x4] =	stream.indirect.gather [hbm4b:s3+s16], $0x40, s8, s16, $0xb8;
	[tilespmem:$0x8000] =	vst v63  }
0x8a: {  	_ =	swait.ge [sflag:s24], $0xC80  }
0x8b: {  	[sflag:s24] =	ssyncset.done $0x0  }
0x8c: {  	s8 =	sadd.s32 $0x640, s6;
	[sflag:s24] =	ssyncadd.s32 $0xFFFFF380  }
0x8d: {  	[hbm4b:s8+s2] =	stream.linear.scatter [tilespmem:s25], [sflag:$0x9], $0xC80, $0x38;
	[tilespmem:$0x8000] =	vst v63  }
0x8e: {  	_ =	swait.ge [sflag:s15], $0xC80  }
0x8f: {  	[sflag:s15] =	ssyncset.done $0x0  }
0x90: {  	s8 =	sadd.s32 $0x2A0, s7;
	[sflag:s15] =	ssyncadd.s32 $0xFFFFF380  }
0x91: {  	[tilespmem:s25], [sflag:$0x5] =	stream.indirect.gather [hbm4b:s3+s16], $0x40, s8, s16, $0xb8;
	[tilespmem:$0x8000] =	vst v63  }
0x92: {  	_ =	swait.ge [sflag:s26], $0xC80  }
0x93: {  	[sflag:s26] =	ssyncset.done $0x0  }
0x94: {  	s8 =	sadd.s32 $0x7D0, s6;
	[sflag:s26] =	ssyncadd.s32 $0xFFFFF380  }
0x95: {  	[hbm4b:s8+s2] =	stream.linear.scatter [tilespmem:s28], [sflag:$0x9], $0xC80, $0x38;
	[tilespmem:$0x8000] =	vst v63  }
0x96: {  	_ =	swait.ge [sflag:s15], $0xC80  }
0x97: {  	[sflag:s15] =	ssyncset.done $0x0  }
0x98: {  	s8 =	sadd.s32 $0x2D8, s7;
	[sflag:s15] =	ssyncadd.s32 $0xFFFFF380  }
0x99: {  	[tilespmem:s28], [sflag:$0x6] =	stream.indirect.gather [hbm4b:s3+s16], $0x40, s8, s16, $0xb8;
	[tilespmem:$0x8000] =	vst v63  }
0x9a: {  	_ =	swait.ge [sflag:s29], $0xC80  }
0x9b: {  	[sflag:s29] =	ssyncset.done $0x0  }
0x9c: {  	s8 =	sadd.s32 $0x960, s6;
	[sflag:s29] =	ssyncadd.s32 $0xFFFFF380  }
0x9d: {  	[hbm4b:s8+s2] =	stream.linear.scatter [tilespmem:s30], [sflag:$0x9], $0xC80, $0x38;
	[tilespmem:$0x8000] =	vst v63  }
0x9e: {  	_ =	swait.ge [sflag:s15], $0xC80  }
0x9f: {  	[sflag:s15] =	ssyncset.done $0x0  }
0xa0: {  	s8 =	sadd.s32 $0x310, s7;
	[sflag:s15] =	ssyncadd.s32 $0xFFFFF380  }
0xa1: {  	[tilespmem:s30], [sflag:$0x7] =	stream.indirect.gather [hbm4b:s3+s16], $0x40, s8, s16, $0xb8;
	[tilespmem:$0x8000] =	vst v63  }
0xa2: {  	_ =	swait.ge [sflag:s31], $0xC80  }
0xa3: {  	[sflag:s31] =	ssyncset.done $0x0  }
.Ltmp0:
0xa4: {  	s8 =	sadd.s32 $0xAF0, s6;
	[sflag:s31] =	ssyncadd.s32 $0xFFFFF380;
	(pc) =	sbr.rel @p0 .LBB2_2-.Ltmp0, $4  }
0xa5: {  	[hbm4b:s8+s2] =	stream.linear.scatter [tilespmem:s1], [sflag:$0x9], $0xC80, $0x38;
	[tilespmem:$0x8000] =	vst v63  }
0xa6: {  	_ =	swait.ge [sflag:s15], $0xC80  }
0xa7: {  	[sflag:s15] =	ssyncset.done $0x0  }
0xa8: {  	s7 =	sadd.s32 $0x348, s7;
	s6 =	sadd.s32 $0xC80, s6;
	[sflag:s15] =	ssyncadd.s32 $0xFFFFF380  }
0xa9: {  	[tilespmem:s1], [sflag:$0x8] =	stream.indirect.gather [hbm4b:s3+s16], $0x40, s7, s16, $0xb8;
	[tilespmem:$0x8000] =	vst v63  }
0xaa: {  	_ =	swait.ge [sflag:s0], $0xC80  }
0xab: {  	[sflag:s0] =	ssyncset.done $0x0  }
0xac: {  	s5 =	rddreg [dreg:$0x4];
	[sflag:s0] =	ssyncadd.s32 $0xFFFFF380  }
0xad: {  	[hbm4b:s5+s2] =	stream.linear.scatter [tilespmem:s17], [sflag:$0x9], $0xC80, $0x38;
	[tilespmem:$0x8000] =	vst v63  }
0xae: {  	_ =	swait.ge [sflag:s15], $0xC80  }
0xaf: {  	[sflag:s15] =	ssyncset.done $0x0  }
0xb0: {  	[sflag:s15] =	ssyncadd.s32 $0xFFFFF380  }
0xb1: {  	_ =	swait.ge [sflag:s18], $0xC80  }
0xb2: {  	[sflag:s18] =	ssyncset.done $0x0  }
0xb3: {  	s6 =	rddreg [dreg:$0x5];
	[sflag:s18] =	ssyncadd.s32 $0xFFFFF380  }
0xb4: {  	[hbm4b:s6+s2] =	stream.linear.scatter [tilespmem:s19], [sflag:$0x9], $0xC80, $0x38;
	[tilespmem:$0x8000] =	vst v63  }
0xb5: {  	_ =	swait.ge [sflag:s15], $0xC80  }
0xb6: {  	[sflag:s15] =	ssyncset.done $0x0  }
0xb7: {  	[sflag:s15] =	ssyncadd.s32 $0xFFFFF380  }
0xb8: {  	_ =	swait.ge [sflag:s20], $0xC80  }
0xb9: {  	[sflag:s20] =	ssyncset.done $0x0  }
0xba: {  	s7 =	rddreg [dreg:$0x6];
	[sflag:s20] =	ssyncadd.s32 $0xFFFFF380  }
0xbb: {  	[hbm4b:s7+s2] =	stream.linear.scatter [tilespmem:s21], [sflag:$0x9], $0xC80, $0x38;
	[tilespmem:$0x8000] =	vst v63  }
0xbc: {  	_ =	swait.ge [sflag:s15], $0xC80  }
0xbd: {  	[sflag:s15] =	ssyncset.done $0x0  }
0xbe: {  	[sflag:s15] =	ssyncadd.s32 $0xFFFFF380  }
0xbf: {  	_ =	swait.ge [sflag:s22], $0xC80  }
0xc0: {  	[sflag:s22] =	ssyncset.done $0x0  }
0xc1: {  	s8 =	rddreg [dreg:$0x7];
	[sflag:s22] =	ssyncadd.s32 $0xFFFFF380  }
0xc2: {  	[hbm4b:s8+s2] =	stream.linear.scatter [tilespmem:s23], [sflag:$0x9], $0xC80, $0x38;
	[tilespmem:$0x8000] =	vst v63  }
0xc3: {  	_ =	swait.ge [sflag:s15], $0xC80  }
0xc4: {  	[sflag:s15] =	ssyncset.done $0x0  }
0xc5: {  	[sflag:s15] =	ssyncadd.s32 $0xFFFFF380  }
0xc6: {  	_ =	swait.ge [sflag:s24], $0xC80  }
0xc7: {  	[sflag:s24] =	ssyncset.done $0x0  }
0xc8: {  	[sflag:s24] =	ssyncadd.s32 $0xFFFFF380  }
0xc9: {  	[hbm4b:s9+s2] =	stream.linear.scatter [tilespmem:s25], [sflag:$0x9], $0xC80, $0x38;
	[tilespmem:$0x8000] =	vst v63  }
0xca: {  	_ =	swait.ge [sflag:s15], $0xC80  }
0xcb: {  	[sflag:s15] =	ssyncset.done $0x0  }
0xcc: {  	[sflag:s15] =	ssyncadd.s32 $0xFFFFF380  }
0xcd: {  	_ =	swait.ge [sflag:s26], $0xC80  }
0xce: {  	[sflag:s26] =	ssyncset.done $0x0  }
0xcf: {  	[sflag:s26] =	ssyncadd.s32 $0xFFFFF380  }
0xd0: {  	[hbm4b:s10+s2] =	stream.linear.scatter [tilespmem:s28], [sflag:$0x9], $0xC80, $0x38;
	[tilespmem:$0x8000] =	vst v63  }
0xd1: {  	_ =	swait.ge [sflag:s15], $0xC80  }
0xd2: {  	[sflag:s15] =	ssyncset.done $0x0  }
0xd3: {  	[sflag:s15] =	ssyncadd.s32 $0xFFFFF380  }
0xd4: {  	_ =	swait.ge [sflag:s29], $0xC80  }
0xd5: {  	[sflag:s29] =	ssyncset.done $0x0  }
0xd6: {  	[sflag:s29] =	ssyncadd.s32 $0xFFFFF380  }
0xd7: {  	[hbm4b:s11+s2] =	stream.linear.scatter [tilespmem:s30], [sflag:$0x9], $0xC80, $0x38;
	[tilespmem:$0x8000] =	vst v63  }
0xd8: {  	_ =	swait.ge [sflag:s15], $0xC80  }
0xd9: {  	[sflag:s15] =	ssyncset.done $0x0  }
0xda: {  	[sflag:s15] =	ssyncadd.s32 $0xFFFFF380  }
0xdb: {  	s4 =	sadd.s32 $0x1, s4;
	_ =	swait.ge [sflag:s31], $0xC80  }
0xdc: {  	p0 =	sne.s32 s4, s13;
	[sflag:s31] =	ssyncset.done $0x0  }
.Ltmp1:
0xdd: {  	[sflag:s31] =	ssyncadd.s32 $0xFFFFF380;
	(pc) =	sbr.rel @p0 .LBB2_1-.Ltmp1, $4  }
0xde: {  	[hbm4b:s12+s2] =	stream.linear.scatter [tilespmem:s1], [sflag:$0x9], $0xC80, $0x38;
	[tilespmem:$0x8000] =	vst v63  }
0xdf: {  	_ =	swait.ge [sflag:s15], $0xC80  }
0xe0: {  	[sflag:s15] =	ssyncset.done $0x0  }
0xe1: {  	[sflag:s15] =	ssyncadd.s32 $0xFFFFF380  }
0xe2: {  	_ =	sfence.sel $0x180000  }
0xe3: {  	[bflag:$0x0] =	sbarrier.arrive $0xFFFF  }
0xe4: {  	_ =	strace $0x90000047  }
0xe5: {  	s0 =	stileid.u32;
	[bflag:$0x2] =	sbarrier.arrive $0xFFFF  }
0xe6: {  	p0 =	sne.s32 s0, $0x0;
	s0 =	rddreg [dreg:$0x2]  }
0xe7: {  	s0 =	sadd.s32 @!p0 $0x100000, s0  }
0xe8: {  	[sflag:s0] =	ssyncadd.tile.s32 @!p0 $0x1;
	_ =	shalt  }
.Lfunc_end2:
_tile_overlayer_lowered:
.L_overlay_start_2:
0xe9: {  	(tag) =	ssettag $0x2  }
0xea: {  	s0 =	rddreg [dreg:$0x0];
	s2 =	stileid.u32  }
0xeb: {  	s1 =	rddreg [dreg:$0x1];
	p0 =	sne.s32 s2, $0x0  }
0xec: {  	s3 =	rddreg [dreg:$0x2];
	[bflag:$0x3] =	sbarrier.arrive $0xFFFF;
	s2 =	simm.s32 @!p0 $0x1C09  }
0xed: {  	[timem:s3], [sflag:s2] =	dma.local @!p0 [hbm:s0], s1  }
0xee: {  	s0 =	simm.s32 @!p0 $0x9  }
0xef: {  	_ =	swait.ge @!p0 [sflag:s0], s1  }
0xf0: {  	s1 =	ssub.s32 @!p0 $0x0, s1;
	[sflag:s0] =	ssyncset.done @!p0 $0x0  }
0xf1: {  	[sflag:s0] =	ssyncadd.s32 @!p0 s1  }
0xf2: {  	[bflag:$0x3] =	sbarrier.arrive $0xFFFF  }
0xf3: {  	_ =	shalt  }

// kernel: sparse-core-data-format-call.cloned.1.call-start
scs
called_computation_lowered:
.L_overlay_start_0:
0x0: {  	s2 =	sld [smem:$0x3FD9]  }
0x1: {  	s3 =	sld [smem:$0x3FFE];
	_ =	sdelay $0x1  }
0x2: {  	s1 =	srdreg.scid  }
0x3: {  	s0 =	sand.u32 $0x1, s1  }
0x4: {  	s18 =	sshll.u32 s0, $0xA;
	s2 =	sadd.s32 s3, s2  }
0x5: {  	s2 =	sadd.s32 s2, s18  }
0x6: {  	[smem:$0x3FC6] =	sst s2  }
0x7: {  	_ = 	snop  }
0x8: {  	s2 =	sld [smem:$0x3FD0];
	(tm) =	ssettm $0x1  }
0x9: {  	s19 =	sld [smem:$0x3FFB];
	_ =	sdelay $0x3  }
0xa: {  	_ =	strace s19  }
0xb: {  	s3 =	sld [smem:$0x3FFC];
	_ =	sdelay $0x3  }
0xc: {  	_ =	strace s3  }
0xd: {  	s3 =	sld [smem:$0x3FFD];
	_ =	sdelay $0x3  }
0xe: {  	_ =	strace s3  }
0xf: {  	_ =	strace $0x8FFFFFFF  }
0x10: {  	s20 =	sld [smem:$0x3FDB];
	_ =	sdelay $0x1  }
0x11: {  	s4 =	simm.s32 $_scs_section_size  }
0x12: {  	s5 =	simm.s32 $_size__tile_overlayer_lowered;
	s6 =	simm.s32 $_tile_overlayer_lowered  }
0x13: {  	s23 =	simm.s32 $0x1BFF;
	s22 =	sshll.u32 s6, $0x1;
	s3 =	sadd.s32 s4, s20  }
0x14: {  	s7 =	simm.s32 $0x0;
	s21 =	sshll.u32 s5, $0x1;
	s5 =	sadd.s32 s22, s3  }
0x15: {  	[timem:s7], [sflag:s23] =	dma.local [hbm:s5], s21  }
0x16: {  	_ =	swait.ge [sflag:s23], s21  }
0x17: {  	s4 =	ssub.s32 $0x0, s21;
	[sflag:s23] =	ssyncset.done $0x0  }
0x18: {  	[sflag:s23] =	ssyncadd.s32 s4;
	_ =	sdelay $0x1  }
0x19: {  	s24 =	simm.s32 $0x1B8B  }
0x1a: {  	_ =	swait.ge [sflag:s24], $0x1  }
0x1b: {  	[sflag:s24] =	ssyncset.done $0x0  }
0x1c: {  	s26 =	simm.s32 $0x1B8E;
	s25 =	sld [smem:$0x3FFE];
	[sflag:s24] =	ssyncadd.s32 $0xFFFFFFFF  }
0x1d: {  	s27 =	simm.s32 $execute0_lowered;
	[smem:$0x3FD2] =	sst s26  }
0x1e: {  	s5 =	sshll.u32 s27, $0x1;
	_ =	strace $0x80000049;
	[dreg:$0x1] =	wrdreg $0xFFFFFFFF  }
0x1f: {  	s28 =	simm.s32 $_size_execute0_lowered;
	s3 =	sadd.s32 s3, s5;
	[dreg:$0x0] =	wrdreg $0x0  }
0x20: {  	s5 =	sshll.u32 s28, $0x1;
	[dreg:$0x2] =	wrdreg s3  }
0x21: {  	[dreg:$0x3] =	wrdreg s5  }
0x22: {  	[dreg:$0x4] =	wrdreg $0xC0  }
0x23: {  	_ =	task [dreg:s7], $0x5FFFF  }
0x24: {  	[dreg:$0x1] =	wrdreg $0xFFFFFFFF  }
0x25: {  	[dreg:$0x0] =	wrdreg $0x60  }
0x26: {  	[dreg:$0x2] =	wrdreg s25  }
0x27: {  	[dreg:$0x3] =	wrdreg s2  }
0x28: {  	[dreg:$0x4] =	wrdreg $0x9  }
0x29: {  	_ =	task.clear_ibuf [dreg:s7], $0x5FFFF;
	_ =	strace $0x90000049  }
0x2a: {  	s29 =	simm.s32 $0x9;
	_ =	strace $0x8000004B  }
0x2b: {  	_ =	swait.ge [sflag:s29], $0x1  }
0x2c: {  	[sflag:s29] =	ssyncadd.s32 $0xFFFFFFFF  }
0x2d: {  	_ =	strace $0x9000004B  }
0x2e: {  	_ =	sfence  }
0x2f: {  	s30 =	sld [smem:$0x0];
	_ =	sdelay $0x2  }
0x30: {  	s31 =	sshll.u32 s1, $0xD;
	s1 =	sshrl.u32 s1, $0x2  }
0x31: {  	s3 =	sand.u32 $0x4000, s31;
	s1 =	sadd.s32 s1, s30  }
0x32: {  	s0 =	sor.u32 s3, s0;
	s1 =	sshll.u32 s1, $0x11  }
0x33: {  	s0 =	sor.u32 s1, s0  }
0x34: {  	s0 =	sadd.s32 $0x8F2B, s0  }
0x35: {  	[sflag:s0] =	ssyncadd.remote.s32 $0x1  }
0x36: {  	_ =	sfence.sel $0xFFFF  }
0x37: {  	[dreg:$0x0] =	wrdreg $0xFFFFFFFF;
	(pc) =	sbr.abs _section_cstart, $3  }
0x38: {  	[dreg:$0x1] =	wrdreg $0xFFFFFFFF  }
0x39: {  	_ =	task.clear_ibuf [dreg:s7], $0x2FFFF;
	_ =	strace $0x9FFFFFFF  }
0x3a: {  	(tm) =	ssettm $0x7FFFFFFF  }
0x3b: {  	_ =	shalt  }
tec
execute0_lowered:
.L_overlay_start_1:
0x0: {  	(tag) =	ssettag $0x1  }
0x1: {  	s0 =	srdreg.scid  }
0x2: {  	s1 =	sshll.u32 s0, $0x4  }
0x3: {  	s0 =	stileid.u32;
	s1 =	sand.u32 $0x10, s1  }
0x4: {  	s1 =	sor.u32 s0, s1  }
0x5: {  	s6 =	rddreg [dreg:$0x0];
	s4 =	simm.s32 $0x1;
	s2 =	sshll.u32 s1, $0x7  }
0x6: {  	s7 =	simm.s32 $0x2;
	s12 =	simm.s32 $0x0;
	s1 =	ssub.s32 $0x1000, s2  }
0x7: {  	s8 =	simm.s32 $0x8000;
	s13 =	simm.s32 $0x0;
	s3 =	sand.u32 $0xF80, s1  }
0x8: {  	s9 =	simm.s32 $0x0;
	s5 =	sshrl.u32 s1, $0xC;
	p0 =	sne.s32 s3, $0x0  }
.Ltmp0:
0x9: {  	s1 =	rddreg [dreg:$0x2];
	s4 =	simm.s32 @!p0 $0x0;
	(pc) =	sbr.rel .LBB1_1-.Ltmp0, $4  }
0xa: {  	s11 =	simm.s32 $0x0;
	s3 =	rddreg [dreg:$0x1];
	s5 =	sadd.s32 s4, s5  }
0xb: {  	_ =	strace $0x8000004A;
	s4 =	simm.s32 $0x1;
	s5 =	smul.u32 $0x32, s5  }
0xc: {  	s6 =	sadd.s32 $0xA00, s6;
	s10 =	smov.u32 s2;
	[sflag:s4] =	ssyncpa.u1 $0x0  }
0xd: {  	p0 =	por $0x0, $0x0;
	[sflag:s7] =	ssyncpa.u1 $0x0;
	s7 =	sor.u32 $0x1, s5  }
.LBB1_4:
0xe: {  	s16 =	sshll.u32 s13, $0x3;
	s17 =	sand.u32 $0x78, s13  }
0xf: {  	s30 =	sand.u32 $0x7E00, s13;
	s12 =	sshll.u32 s12, $0xF;
	s16 =	sand.u32 $0xC00, s16  }
0x10: {  	[tilespmem:s15+$0x810 ss:$0x81] =	vst.msk $0xffff, v2;
	s31 =	sand.u32 $0x7, s13;
	s16 =	sor.u32 s17, s16;
	s17 =	sadd.s32 s3, s30  }
0x11: {  	[tilespmem:s15+$0x1020 ss:$0x81] =	vst.msk $0xffff, v0;
	s13 =	sshll.u32 s31, $0x12;
	s12 =	sadd.s32 s12, s17;
	s16 =	sshrl.u32 s16, $0x3  }
0x12: {  	[tilespmem:s15+$0x0 ss:$0x81] =	vst.msk $0xffff, v1;
	s13 =	sor.u32 $0x400, s13;
	s12 =	sadd.s32 s16, s12  }
0x13: {  	[hbm4b:s12+s13] =	stream.strided.scatter [tilespmem:s14], [sflag:$0x2], $0x2000, s8, s13, $0x20;
	[tilespmem:$0x8080] =	vst v63  }
.LBB1_5:
0x14: {  	s14 =	sadd.s32 $0x1, s9  }
0x15: {  	s12 =	sadd.s32 $0x1000, s10;
	s16 =	smov.u32 s10;
	p2 =	sgt.s32 s14, $0x31  }
0x16: {  	s16 =	smov.u32 @p2 s12  }
0x17: {  	s14 =	simm.s32 @p2 $0x0;
	p2 =	sgt.s32 s16, $0xFFF  }
0x18: {  	s16 =	smov.u32 @p2 s2;
	p2 =	sne.s32 s11, s7  }
.Ltmp1:
0x19: {  	p1 =	slt.u32 s11, $0x2;
	(pc) =	sbr.rel @!p2 .LBB1_6-.Ltmp1, $4  }
0x1a: {  	s15 =	simm.s32 @!p1 $0x2  }
0x1b: {  	s13 =	smov.u32 s10;
	p0 =	por !p0, !p0;
	_ =	swait.ge @!p1 [sflag:s15], $0x2000  }
0x1c: {  	s12 =	smov.u32 s9;
	[sflag:s15] =	ssyncset.done @!p1 $0x0;
	s9 =	smov.u32 s14  }
0x1d: {  	s11 =	sadd.s32 $0x1, s11;
	[sflag:s15] =	ssyncadd.s32 @!p1 $0xFFFFE000;
	s10 =	smov.u32 s16  }
.LBB1_1:
0x1e: {  	p1 =	sge.u32 s11, s5  }
0x1f: {  	s14 =	sand.u32 @!p1 $0x1FFFFFF, s9  }
0x20: {  	s15 =	smulhi.u32 @!p1 $0x4924925, s14;
	_ =	sdelay $0x1  }
0x21: {  	s15 =	smul.u32 @!p1 $0x38, s15  }
0x22: {  	s16 =	sxor.u32 @!p1 $0xFFFFFFFF, s11;
	s17 =	smul.u32 @!p1 $0x380, s10  }
0x23: {  	s31 =	sadd.s32 $0xFFFFFFFF, s11;
	s16 =	sshll.u32 @!p1 s16, $0xD;
	s14 =	ssub.s32 @!p1 s14, s15  }
0x24: {  	s15 =	sand.u32 @!p1 $0x2000, s16;
	s16 =	sadd.s32 @!p1 s6, s17;
	s14 =	sshll.u32 @!p1 s14, $0x4  }
0x25: {  	s17 =	simm.s32 @!p1 $0x1C00;
	s14 =	sadd.s32 @!p1 s14, s16;
	s16 =	simm.s32 @!p1 $0x40  }
0x26: {  	[tilespmem:s15], [sflag:$0x1] =	stream.strided.gather @!p1 [hbm4b:s14+s16], $0x2000, s17, s16, $0x38;
	[tilespmem:$0x8080] =	vst v63  }
0x27: {  	p1 =	sge.u32 s31, s5  }
.Ltmp2:
0x28: {  	_ = 	snop;
	(pc) =	sbr.rel @p1 .LBB1_5-.Ltmp2, $1  }
0x29: {  	_ =	sdelay $0x3  }
0x2a: {  	s14 =	simm.s32 $0x1  }
0x2b: {  	_ =	swait.ge [sflag:s4], $0x2000;
	s14 =	simm.s32 @!p0 $0x0  }
0x2c: {  	[sflag:s4] =	ssyncset.done $0x0;
	s15 =	sshll.u32 s14, $0xD  }
0x2d: {  	[sflag:s4] =	ssyncadd.s32 $0xFFFFE000;
	s18 =	sor.u32 $0x20, s15  }
0x2e: {  	s14 =	smul.u32 $0x8100, s14;
	v3 =	vld [tilespmem:s18+$0x10]  }
0x2f: {  	s30 =	sand.u32 $0x1, s11;
	v2 =	vld [tilespmem:s18+$0xFFFFFFF0]  }
0x30: {  	s15 =	smul.u32 $0x8100, s30;
	s14 =	sshrl.u32 s14, $0x2;
	v0 =	vld [tilespmem:s18+$0x0]  }
0x31: {  	v1 =	vld [tilespmem:s18+$0xFFFFFFE0];
	s16 =	sor.u32 $0x4000, s14  }
0x32: {  	s31 =	sshrl.u32 s15, $0x2;
	s15 =	sadd.s32 $0x0, s16  }
0x33: {  	s17 =	simm.s32 $0x4;
	s18 =	sadd.s32 $0x40, s18;
	s14 =	sor.u32 $0x4000, s31;
	[tilespmem:s15+$0x1830 ss:$0x81] =	vst.msk $0xffff, v3  }
.LBB1_3:
0x34: {  	v3 =	vld [tilespmem:s18+$0x10];
	p1 =	sne.s32 s17, $0x1FC;
	[tilespmem:s15+$0x810 ss:$0x81] =	vst.msk $0xffff, v2;
	s19 =	smov.u32 s17;
	s17 =	sadd.s32 $0x4, s17  }
.Ltmp3:
0x35: {  	v2 =	vld [tilespmem:s18+$0xFFFFFFF0];
	[tilespmem:s15+$0x1020 ss:$0x81] =	vst.msk $0xffff, v0;
	(pc) =	sbr.rel @p1 .LBB1_3-.Ltmp3, $4  }
0x36: {  	v0 =	vld [tilespmem:s18+$0x0];
	[tilespmem:s15+$0x0 ss:$0x81] =	vst.msk $0xffff, v1  }
0x37: {  	s15 =	sshra.s32 s19, $0x2;
	v1 =	vld [tilespmem:s18+$0xFFFFFFE0]  }
0x38: {  	s15 =	sadd.s32 s15, s16  }
0x39: {  	s18 =	sadd.s32 $0x40, s18;
	[tilespmem:s15+$0x1830 ss:$0x81] =	vst.msk $0xffff, v3  }
.Ltmp4:
0x3a: {  	_ = 	snop;
	(pc) =	sbr.rel .LBB1_4-.Ltmp4, $1  }
0x3b: {  	_ =	sdelay $0x3  }
.LBB1_6:
0x3c: {  	_ =	sfence.sel $0x180000  }
0x3d: {  	s2 =	simm.s32 $0x1;
	[bflag:$0x0] =	sbarrier.arrive $0xFFFF  }
0x3e: {  	s31 =	simm.s32 $0x2;
	[sflag:s2] =	ssyncpa.u1 $0x1  }
0x3f: {  	[sflag:s31] =	ssyncpa.u1 $0x1  }
0x40: {  	p0 =	sne.s32 s0, $0x0;
	_ =	strace $0x9000004A  }
0x41: {  	s0 =	sadd.s32 @!p0 $0x100000, s1;
	[bflag:$0x2] =	sbarrier.arrive $0xFFFF  }
0x42: {  	[sflag:s0] =	ssyncadd.tile.s32 @!p0 $0x1;
	_ =	shalt  }
.Lfunc_end1:
_tile_overlayer_lowered:
.L_overlay_start_2:
0x43: {  	(tag) =	ssettag $0x2  }
0x44: {  	s0 =	rddreg [dreg:$0x0];
	s2 =	stileid.u32  }
0x45: {  	s1 =	rddreg [dreg:$0x1];
	p0 =	sne.s32 s2, $0x0  }
0x46: {  	s3 =	rddreg [dreg:$0x2];
	[bflag:$0x3] =	sbarrier.arrive $0xFFFF;
	s2 =	simm.s32 @!p0 $0x1C01  }
0x47: {  	[timem:s3], [sflag:s2] =	dma.local @!p0 [hbm:s0], s1  }
0x48: {  	s0 =	simm.s32 @!p0 $0x1  }
0x49: {  	_ =	swait.ge @!p0 [sflag:s0], s1  }
0x4a: {  	s1 =	ssub.s32 @!p0 $0x0, s1;
	[sflag:s0] =	ssyncset.done @!p0 $0x0  }
0x4b: {  	[sflag:s0] =	ssyncadd.s32 @!p0 s1  }
0x4c: {  	[bflag:$0x3] =	sbarrier.arrive $0xFFFF  }
0x4d: {  	_ =	shalt  }

</sc_bundles>
